<compile_context>
chip_gen: v7x
topology: tpu7x:2x2x1
jax: 0.10.2.dev20260603
libtpu: 0.0.44.dev20260713+nightly
codegen_flags: <defaults>
</compile_context>

<pallas_src>
import jax
import jax.numpy as jnp
from jax import lax
from jax.experimental import pallas as pl
from jax.experimental.pallas import tpu as pltpu
from jax.experimental.pallas import tpu_sc as plsc

_B, _M, _D = 256, 50, 60
_H = _D // 2
_K = 6
_THR = 0.2
_L = 16
_NC, _NS = 2, 16
_NW = _NC * _NS
_RW = _B // _NW
_TV = _RW * _M * _D
_SEL = _RW * _K * _D
_NEG = float("-inf")


_TV2 = 2 * _M * _D


def _sc_body(traj_hbm, score_hbm, sel_hbm, cnt_hbm,
             traj_v, score_v, sel_v, cnt_v, kept_v, acc_ref, sem, sem2):
    wid = lax.axis_index("s") * _NC + lax.axis_index("c")
    cp1 = pltpu.async_copy(traj_hbm.at[pl.ds(wid * _TV, _TV2)],
                           traj_v.at[pl.ds(0, _TV2)], sem)
    cp2 = pltpu.async_copy(traj_hbm.at[pl.ds(wid * _TV + _TV2, _TV - _TV2)],
                           traj_v.at[pl.ds(_TV2, _TV - _TV2)], sem2)
    pltpu.sync_copy(score_hbm.at[pl.ds(wid * (_RW * _M), _RW * _M)],
                    score_v.at[pl.ds(0, _RW * _M)])
    cp1.wait()

    iota = lax.iota(jnp.int32, _L)
    iota2 = iota * 2
    pad_hi = iota >= (_H - _L)
    full = jnp.int32(2 * _L)
    zero = jnp.int32(0)

    def argmax_mark(s0, s1, s2, s3):
        m = jnp.maximum(jnp.maximum(s0, s1), jnp.maximum(s2, s3))
        mx = jnp.max(m)
        e0 = s0 == mx
        e1 = s1 == mx
        e2 = s2 == mx
        e3 = s3 == mx
        f0 = plsc.all_reduce_ffs(e0)
        f1 = plsc.all_reduce_ffs(e1)
        f2 = plsc.all_reduce_ffs(e2)
        f3 = plsc.all_reduce_ffs(e3)
        p0 = plsc.all_reduce_population_count(e0)
        p1 = plsc.all_reduce_population_count(e1)
        p2 = plsc.all_reduce_population_count(e2)
        c = jnp.where(p0 > zero, f0,
                      jnp.where(p1 > zero, f1 + 16,
                                jnp.where(p2 > zero, f2 + 32, f3 + 48)))
        s0 = jnp.where(iota == c, _NEG, s0)
        s1 = jnp.where(iota + 16 == c, _NEG, s1)
        s2 = jnp.where(iota + 32 == c, _NEG, s2)
        s3 = jnp.where(iota + 48 == c, _NEG, s3)
        return c[0], s0, s1, s2, s3

    def deinterleave(cb):
        xa0 = plsc.load_gather(traj_v, [cb + iota2])
        xa1 = plsc.load_gather(traj_v, [cb + 32 + iota2])
        ya0 = plsc.load_gather(traj_v, [cb + 1 + iota2])
        ya1 = plsc.load_gather(traj_v, [cb + 33 + iota2])
        return xa0, xa1, ya0, ya1

    def keep_store(slot, xa0, xa1, ya0, ya1):
        ko = slot * 64
        kept_v[pl.ds(ko, _L)] = xa0
        kept_v[pl.ds(ko + 16, _L)] = xa1
        kept_v[pl.ds(ko + 32, _L)] = ya0
        kept_v[pl.ds(ko + 48, _L)] = ya1

    def row_body(r, cnts):
        sb = r * _M
        s0 = score_v[pl.ds(sb, _L)]
        s1 = score_v[pl.ds(sb + _L, _L)]
        s2 = score_v[pl.ds(sb + 2 * _L, _L)]
        s3 = score_v[pl.ds(sb + 3 * _L, _L)]
        s3 = jnp.where(iota < (_M - 3 * _L), s3, _NEG)

        tb_row = r * (_M * _D)
        for j in range(_K + 2):
            acc_ref[j] = jnp.int32(0)
        c0, s0, s1, s2, s3 = argmax_mark(s0, s1, s2, s3)
        cb0 = tb_row + c0 * _D
        acc_ref[0] = cb0
        keep_store(0, *deinterleave(cb0))

        def cond(st):
            return jnp.logical_and(st[0] < _M, st[1] < _K)

        def body(st):
            visited, cnt, s0, s1, s2, s3 = st
            c, s0, s1, s2, s3 = argmax_mark(s0, s1, s2, s3)
            cb = tb_row + c * _D
            xa0, xa1, ya0, ya1 = deinterleave(cb)
            sup = jnp.full((_L,), False)
            for j in range(_K):
                ko = j * 64
                xb0 = kept_v[pl.ds(ko, _L)]
                xb1 = kept_v[pl.ds(ko + 16, _L)]
                yb0 = kept_v[pl.ds(ko + 32, _L)]
                yb1 = kept_v[pl.ds(ko + 48, _L)]
                dx0 = xa0 - xb0
                dy0 = ya0 - yb0
                dx1 = xa1 - xb1
                dy1 = ya1 - yb1
                d0 = dx0 * dx0 + dy0 * dy0
                d1 = dx1 * dx1 + dy1 * dy1
                near0 = d0 < _THR
                near1 = jnp.logical_or(d1 < _THR, pad_hi)
                pc = (plsc.all_reduce_population_count(near0)
                      + plsc.all_reduce_population_count(near1))
                close = pc == full
                sup = jnp.logical_or(sup, jnp.logical_and(close, j < cnt))
            take = plsc.all_reduce_population_count(sup)[0] == zero
            slot = jnp.where(take, cnt, jnp.int32(_K))
            keep_store(slot, xa0, xa1, ya0, ya1)
            acc_ref[jnp.where(take, cnt, jnp.int32(_K + 1))] = cb
            cnt = cnt + take.astype(jnp.int32)
            return (visited + 1, cnt, s0, s1, s2, s3)

        st = lax.while_loop(cond, body,
                            (jnp.int32(1), jnp.int32(1), s0, s1, s2, s3))
        cntf = st[1]

        ob_row = r * (_K * _D)
        for j in range(_K):
            bj = acc_ref[j]
            valid = j < cntf
            for p in (0, 16, 32, 44):
                v = traj_v[pl.ds(bj + p, _L)]
                v = jnp.where(valid, v, 0.0)
                sel_v[pl.ds(ob_row + j * _D + p, _L)] = v
        return jnp.where(iota == r, cntf, cnts)

    cnts = lax.fori_loop(0, 2, row_body, jnp.zeros((_L,), jnp.int32))
    cp2.wait()
    cnts = lax.fori_loop(2, _RW, row_body, cnts)
    cnt_v[...] = cnts
    cpo = pltpu.async_copy(sel_v, sel_hbm.at[pl.ds(wid * _SEL, _SEL)], sem)
    pltpu.sync_copy(cnt_v.at[pl.ds(0, _RW)], cnt_hbm.at[pl.ds(wid * _RW, _RW)])
    cpo.wait()


def _sc_select(traj_flat, score_flat):
    mesh = plsc.VectorSubcoreMesh(core_axis_name="c", subcore_axis_name="s",
                                  num_cores=_NC, num_subcores=_NS)
    f = pl.kernel(
        _sc_body,
        out_type=(
            jax.ShapeDtypeStruct((_B * _K * _D,), jnp.float32),
            jax.ShapeDtypeStruct((_B,), jnp.int32),
        ),
        mesh=mesh,
        scratch_types=[
            pltpu.VMEM((_TV + 64,), jnp.float32),
            pltpu.VMEM((_RW * _M + 16,), jnp.float32),
            pltpu.VMEM((_SEL,), jnp.float32),
            pltpu.VMEM((_L,), jnp.int32),
            pltpu.VMEM(((_K + 1) * 64,), jnp.float32),
            pltpu.SMEM((_K + 2,), jnp.int32),
            pltpu.SemaphoreType.DMA,
            pltpu.SemaphoreType.DMA,
        ],
        compiler_params=pltpu.CompilerParams(needs_layout_passes=False),
    )
    return f(traj_flat, score_flat)


def _tc_mask_body(sel_ref, cnt_ref, out_ref):
    sel = sel_ref[...]
    cnt = cnt_ref[...]
    bi = lax.broadcasted_iota(jnp.int32, (_B, _B), 0)
    bj = lax.broadcasted_iota(jnp.int32, (_B, _B), 1)
    m = jnp.where(bj > bi, jnp.broadcast_to(cnt, (_B, _B)), jnp.int32(_K))
    suffix_after = jnp.min(m, axis=1)
    limit = jnp.minimum(cnt[0], suffix_after)
    col = lax.broadcasted_iota(jnp.int32, (_B, _K * _D), 1) // _D
    mask = col < limit[:, None]
    out_ref[...] = jnp.where(mask, sel, 0.0)


_tc_mask = pl.pallas_call(
    _tc_mask_body,
    out_shape=jax.ShapeDtypeStruct((_B, _K * _D), jnp.float32),
)


def kernel(traj_in, score):
    sel_flat, cnt = _sc_select(traj_in.reshape(-1), score.reshape(-1))
    out = _tc_mask(sel_flat.reshape(_B, _K * _D), cnt.reshape(1, _B))
    return out.reshape(_B, _K, _D)

# --- scband reference (transcript-rebuilt; emitter-appended) ---
"""Pipeline reference for scband-tnt-11785390260978 (READ-ONLY COPY).

The authoritative reference and input builder live on the scoring server;
editing this copy changes nothing except your own understanding.
"""

import jax, jax.numpy as jnp
import numpy as np

M = 50
K = 6
HORIZON = 30
THRESHOLD = 0.2

def setup_inputs(seed: int = 0) -> dict:
    key = jax.random.key(seed)
    k1, k2 = jax.random.split(key)
    traj_in = jax.random.normal(k1, (256, M, HORIZON * 2), dtype=jnp.float32)
    score = jax.random.normal(k2, (256, M), dtype=jnp.float32)
    return {"traj_in": traj_in, "score": score}

def _traj_selection(traj_in, score):
    B, M_, D = traj_in.shape
    horizon = D // 2
    # sort candidates by score, descending (torch: score.sort(descending=True))
    order = jnp.argsort(-score, axis=1)
    traj_pred = jnp.take_along_axis(traj_in, order[:, :, None], axis=1)  # [B, M, D]
    # distance_metric: max over timesteps of squared L2 distance between trajectories
    diff = traj_pred[:, :, None, :] - traj_pred[:, None, :, :]  # [B, M, M, D]
    d = jnp.max(jnp.sum(diff.reshape(B, M_, M_, horizon, 2) ** 2, axis=-1), axis=-1)  # [B, M, M]
    d = jax.lax.stop_gradient(d)

    def per_batch(dmat):
        keep0 = jnp.zeros((M_,), dtype=bool).at[0].set(True)
        def body(carry, i):
            keep, cnt = carry
            suppressed = jnp.any(jnp.logical_and(keep, dmat[i] < THRESHOLD))
            take = jnp.logical_and(jnp.logical_not(suppressed), cnt < K)
            keep = keep.at[i].set(take)
            cnt = cnt + take.astype(jnp.int32)
            return (keep, cnt), None
        (keep, cnt), _ = jax.lax.scan(body, (keep0, jnp.int32(1)), jnp.arange(1, M_))
        return keep, cnt

    keep, cnt = jax.vmap(per_batch)(d)  # keep: [B, M] bool, cnt: [B] int32
    # gather accepted trajectories into leading slots (stable order of kept indices)
    sel = jnp.argsort(jnp.where(keep, jnp.arange(M_)[None, :], M_), axis=1)[:, :K]  # [B, K]
    traj_selected = jnp.take_along_axis(traj_pred, sel[:, :, None], axis=1)  # [B, K, D]
    # replicate the original's cross-batch zeroing: traj_selected[:, traj_cnt:] = 0.0
    # applied sequentially per batch -> slot j of row b survives iff j < cnt_b and
    # j < min(cnt_{b''}) over all later batches b'' > b.
    suffix_incl = jax.lax.associative_scan(jnp.minimum, cnt[::-1])[::-1]  # min cnt[b:]
    suffix_after = jnp.concatenate([suffix_incl[1:], jnp.full((1,), K, dtype=cnt.dtype)])
    limit = jnp.minimum(cnt, suffix_after)  # [B]
    mask = jax.lax.stop_gradient((jnp.arange(K)[None, :] < limit[:, None]).astype(traj_selected.dtype))
    return traj_selected * mask[:, :, None]

def reference(traj_in, score):
    return _traj_selection(traj_in, score)

if __name__ == "__main__":
    import jax
    _d = setup_inputs()
    print(jax.jit(kernel)(*tuple(_d.values())))

</pallas_src>

<mosaic_0001>
#map = affine_map<(d0, d1) -> (0)>
module attributes {stable_mosaic.version = 14 : i64} {
  func.func @_sc_body(%arg0: i32, %arg1: i32, %arg2: memref<768000xf32, #tpu.memory_space<hbm>>, %arg3: memref<12800xf32, #tpu.memory_space<hbm>>, %arg4: memref<92160xf32, #tpu.memory_space<hbm>>, %arg5: memref<256xi32, #tpu.memory_space<hbm>>, %arg6: memref<24064xf32, #tpu.memory_space<vmem>>, %arg7: memref<416xf32, #tpu.memory_space<vmem>>, %arg8: memref<2880xf32, #tpu.memory_space<vmem>>, %arg9: memref<16xi32, #tpu.memory_space<vmem>>, %arg10: memref<448xf32, #tpu.memory_space<vmem>>, %arg11: memref<8xi32, #tpu.memory_space<smem>>, %arg12: memref<!tpu.dma_semaphore, #tpu.memory_space<semaphore_mem>>, %arg13: memref<!tpu.dma_semaphore, #tpu.memory_space<semaphore_mem>>) attributes {dimension_semantics = [#tpu.dimension_semantics<core_parallel>, #tpu.dimension_semantics<subcore_parallel>], iteration_bounds = array<i64: 2, 16>, scalar_prefetch = 0 : i64, scratch_operands = 8 : i64, tpu.core_type = #tpu.core_type<sc_vector_subcore>, window_params = [{transform_indices = #map}, {transform_indices = #map}, {transform_indices = #map}, {transform_indices = #map}]} {
    %mul3A = arith.constant 2 : i32
    %mul3A_0 = arith.muli %arg1, %mul3A : i32
    %add3A = arith.addi %mul3A_0, %arg0 : i32
    %mul3A_1 = arith.constant 24000 : i32
    %mul3A_2 = arith.muli %add3A, %mul3A_1 : i32
    %dma_start3A = arith.constant 0 : i32
    %dma_start3A_3 = tpu.memref_slice %arg6[%dma_start3A] : memref<24064xf32, #tpu.memory_space<vmem>> -> memref<6000xf32, #tpu.memory_space<vmem>>
    %dma_start3A_4 = tpu.memref_slice %arg2[%mul3A_2] : memref<768000xf32, #tpu.memory_space<hbm>> -> memref<6000xf32, #tpu.memory_space<hbm>>
    %dma_start3A_5 = arith.constant 0 : i32
    %dma_start3A_6 = tpu.memref_slice %arg6[%dma_start3A_5] : memref<24064xf32, #tpu.memory_space<vmem>> -> memref<6000xf32, #tpu.memory_space<vmem>>
    %dma_start3A_7 = tpu.memref_slice %arg2[%mul3A_2] : memref<768000xf32, #tpu.memory_space<hbm>> -> memref<6000xf32, #tpu.memory_space<hbm>>
    tpu.enqueue_dma source(%dma_start3A_7 : memref<6000xf32, #tpu.memory_space<hbm>>) target(%dma_start3A_6 : memref<6000xf32, #tpu.memory_space<vmem>>) target_semaphore(%arg12 : memref<!tpu.dma_semaphore, #tpu.memory_space<semaphore_mem>>)
    %mul3A_8 = arith.constant 24000 : i32
    %mul3A_9 = arith.muli %add3A, %mul3A_8 : i32
    %add3A_10 = arith.constant 6000 : i32
    %add3A_11 = arith.addi %mul3A_9, %add3A_10 : i32
    %dma_start3A_12 = arith.constant 6000 : i32
    %dma_start3A_13 = tpu.memref_slice %arg6[%dma_start3A_12] : memref<24064xf32, #tpu.memory_space<vmem>> -> memref<18000xf32, #tpu.memory_space<vmem>>
    %dma_start3A_14 = tpu.memref_slice %arg2[%add3A_11] : memref<768000xf32, #tpu.memory_space<hbm>> -> memref<18000xf32, #tpu.memory_space<hbm>>
    %dma_start3A_15 = arith.constant 6000 : i32
    %dma_start3A_16 = tpu.memref_slice %arg6[%dma_start3A_15] : memref<24064xf32, #tpu.memory_space<vmem>> -> memref<18000xf32, #tpu.memory_space<vmem>>
    %dma_start3A_17 = tpu.memref_slice %arg2[%add3A_11] : memref<768000xf32, #tpu.memory_space<hbm>> -> memref<18000xf32, #tpu.memory_space<hbm>>
    tpu.enqueue_dma source(%dma_start3A_17 : memref<18000xf32, #tpu.memory_space<hbm>>) target(%dma_start3A_16 : memref<18000xf32, #tpu.memory_space<vmem>>) target_semaphore(%arg13 : memref<!tpu.dma_semaphore, #tpu.memory_space<semaphore_mem>>)
    %mul3A_18 = arith.constant 400 : i32
    %mul3A_19 = arith.muli %add3A, %mul3A_18 : i32
    "tpu.region"() ({
      %run_scoped3A = tpu.sem_alloc : memref<!tpu.dma_semaphore, #tpu.memory_space<semaphore_mem>>
      %dma_start3A_61 = arith.constant 0 : i32
      %dma_start3A_62 = tpu.memref_slice %arg7[%dma_start3A_61] : memref<416xf32, #tpu.memory_space<vmem>> -> memref<400xf32, #tpu.memory_space<vmem>>
      %dma_start3A_63 = tpu.memref_slice %arg3[%mul3A_19] : memref<12800xf32, #tpu.memory_space<hbm>> -> memref<400xf32, #tpu.memory_space<hbm>>
      %dma_start3A_64 = arith.constant 0 : i32
      %dma_start3A_65 = tpu.memref_slice %arg7[%dma_start3A_64] : memref<416xf32, #tpu.memory_space<vmem>> -> memref<400xf32, #tpu.memory_space<vmem>>
      %dma_start3A_66 = tpu.memref_slice %arg3[%mul3A_19] : memref<12800xf32, #tpu.memory_space<hbm>> -> memref<400xf32, #tpu.memory_space<hbm>>
      tpu.enqueue_dma source(%dma_start3A_66 : memref<400xf32, #tpu.memory_space<hbm>>) target(%dma_start3A_65 : memref<400xf32, #tpu.memory_space<vmem>>) target_semaphore(%run_scoped3A : memref<!tpu.dma_semaphore, #tpu.memory_space<semaphore_mem>>)
      %dma_wait3A_67 = arith.constant 0 : i32
      %dma_wait3A_68 = tpu.memref_slice %arg7[%dma_wait3A_67] : memref<416xf32, #tpu.memory_space<vmem>> -> memref<400xf32, #tpu.memory_space<vmem>>
      %dma_wait3A_69 = tpu.memref_slice %arg3[%mul3A_19] : memref<12800xf32, #tpu.memory_space<hbm>> -> memref<400xf32, #tpu.memory_space<hbm>>
      %dma_wait3A_70 = arith.constant 0 : i32
      %dma_wait3A_71 = tpu.memref_slice %arg7[%dma_wait3A_70] : memref<416xf32, #tpu.memory_space<vmem>> -> memref<400xf32, #tpu.memory_space<vmem>>
      %dma_wait3A_72 = tpu.memref_slice %arg3[%mul3A_19] : memref<12800xf32, #tpu.memory_space<hbm>> -> memref<400xf32, #tpu.memory_space<hbm>>
      tpu.wait_dma2 semaphore(%run_scoped3A : memref<!tpu.dma_semaphore, #tpu.memory_space<semaphore_mem>>) src(%dma_wait3A_72 : memref<400xf32, #tpu.memory_space<hbm>>) dst(%dma_wait3A_71 : memref<400xf32, #tpu.memory_space<vmem>>)
      tpu.yield
    }) : () -> ()
    %dma_wait3A = arith.constant 0 : i32
    %dma_wait3A_20 = tpu.memref_slice %arg6[%dma_wait3A] : memref<24064xf32, #tpu.memory_space<vmem>> -> memref<6000xf32, #tpu.memory_space<vmem>>
    %dma_wait3A_21 = tpu.memref_slice %arg2[%mul3A_2] : memref<768000xf32, #tpu.memory_space<hbm>> -> memref<6000xf32, #tpu.memory_space<hbm>>
    %dma_wait3A_22 = arith.constant 0 : i32
    %dma_wait3A_23 = tpu.memref_slice %arg6[%dma_wait3A_22] : memref<24064xf32, #tpu.memory_space<vmem>> -> memref<6000xf32, #tpu.memory_space<vmem>>
    %dma_wait3A_24 = tpu.memref_slice %arg2[%mul3A_2] : memref<768000xf32, #tpu.memory_space<hbm>> -> memref<6000xf32, #tpu.memory_space<hbm>>
    tpu.wait_dma2 semaphore(%arg12 : memref<!tpu.dma_semaphore, #tpu.memory_space<semaphore_mem>>) src(%dma_wait3A_24 : memref<6000xf32, #tpu.memory_space<hbm>>) dst(%dma_wait3A_23 : memref<6000xf32, #tpu.memory_space<vmem>>)
    %iota3A = tpu.iota {dimensions = array<i32: 0>} : vector<16xi32>
    %mul3A_25 = arith.constant 2 : i32
    %mul3A_26 = vector.broadcast %mul3A_25 : i32 to vector<16xi32>
    %mul3A_27 = arith.muli %iota3A, %mul3A_26 : vector<16xi32>
    %ge3A = arith.constant 14 : i32
    %ge3A_28 = vector.broadcast %ge3A : i32 to vector<16xi32>
    %ge3A_29 = arith.cmpi sge, %iota3A, %ge3A_28 : vector<16xi32>
    %broadcast_in_dim3A = arith.constant 0 : i32
    %broadcast_in_dim3A_30 = vector.broadcast %broadcast_in_dim3A : i32 to vector<16xi32>
    %scan3A = arith.constant 0 : i32
    %scan3A_31 = arith.constant 32 : i32
    %scan3A_32 = arith.constant 0 : i32
    %scan3A_33 = arith.constant 2 : i32
    %scan3A_34 = arith.addi %scan3A_32, %scan3A_33 : i32
    %scan3A_35 = arith.constant 1 : i32
    %scan3A_36 = scf.for %scan3A_61 = %scan3A_32 to %scan3A_34 step %scan3A_35 iter_args(%scan3A_62 = %broadcast_in_dim3A_30) -> (vector<16xi32>)  : i32 {
      %mul3A_63 = arith.constant 50 : i32
      %mul3A_64 = arith.muli %scan3A_61, %mul3A_63 : i32
      %get3A = arith.index_cast %mul3A_64 : i32 to index
      %get3A_65 = tpu.vector_load %arg7[%get3A] {strides = array<i32>} : memref<416xf32, #tpu.memory_space<vmem>>, vector<16xf32>,
      %add3A_66 = arith.constant 16 : i32
      %add3A_67 = arith.addi %mul3A_64, %add3A_66 : i32
      %get3A_68 = arith.index_cast %add3A_67 : i32 to index
      %get3A_69 = tpu.vector_load %arg7[%get3A_68] {strides = array<i32>} : memref<416xf32, #tpu.memory_space<vmem>>, vector<16xf32>,
      %add3A_70 = arith.constant 32 : i32
      %add3A_71 = arith.addi %mul3A_64, %add3A_70 : i32
      %get3A_72 = arith.index_cast %add3A_71 : i32 to index
      %get3A_73 = tpu.vector_load %arg7[%get3A_72] {strides = array<i32>} : memref<416xf32, #tpu.memory_space<vmem>>, vector<16xf32>,
      %add3A_74 = arith.constant 48 : i32
      %add3A_75 = arith.addi %mul3A_64, %add3A_74 : i32
      %get3A_76 = arith.index_cast %add3A_75 : i32 to index
      %get3A_77 = tpu.vector_load %arg7[%get3A_76] {strides = array<i32>} : memref<416xf32, #tpu.memory_space<vmem>>, vector<16xf32>,
      %lt3A = arith.constant 2 : i32
      %lt3A_78 = vector.broadcast %lt3A : i32 to vector<16xi32>
      %lt3A_79 = arith.cmpi slt, %iota3A, %lt3A_78 : vector<16xi32>
      %jit3A = arith.constant 0xFF800000 : f32
      %broadcast_in_dim3A_80 = vector.broadcast %jit3A : f32 to vector<16xf32>
      %select_n3A = arith.select %lt3A_79, %get3A_77, %broadcast_in_dim3A_80 : vector<16xi1>, vector<16xf32>
      %mul3A_81 = arith.constant 3000 : i32
      %mul3A_82 = arith.muli %scan3A_61, %mul3A_81 : i32
      %swap3A_83 = arith.constant 0 : i32
      %swap3A_84 = arith.constant 0 : i32
      %swap3A_85 = arith.index_cast %swap3A_84 : i32 to index
      %swap3A_86 = memref.load %arg11[%swap3A_85] : memref<8xi32, #tpu.memory_space<smem>>
      memref.store %swap3A_83, %arg11[%swap3A_85] : memref<8xi32, #tpu.memory_space<smem>>
      %swap3A_87 = arith.constant 0 : i32
      %swap3A_88 = arith.constant 1 : i32
      %swap3A_89 = arith.index_cast %swap3A_88 : i32 to index
      %swap3A_90 = memref.load %arg11[%swap3A_89] : memref<8xi32, #tpu.memory_space<smem>>
      memref.store %swap3A_87, %arg11[%swap3A_89] : memref<8xi32, #tpu.memory_space<smem>>
      %swap3A_91 = arith.constant 0 : i32
      %swap3A_92 = arith.constant 2 : i32
      %swap3A_93 = arith.index_cast %swap3A_92 : i32 to index
      %swap3A_94 = memref.load %arg11[%swap3A_93] : memref<8xi32, #tpu.memory_space<smem>>
      memref.store %swap3A_91, %arg11[%swap3A_93] : memref<8xi32, #tpu.memory_space<smem>>
      %swap3A_95 = arith.constant 0 : i32
      %swap3A_96 = arith.constant 3 : i32
      %swap3A_97 = arith.index_cast %swap3A_96 : i32 to index
      %swap3A_98 = memref.load %arg11[%swap3A_97] : memref<8xi32, #tpu.memory_space<smem>>
      memref.store %swap3A_95, %arg11[%swap3A_97] : memref<8xi32, #tpu.memory_space<smem>>
      %swap3A_99 = arith.constant 0 : i32
      %swap3A_100 = arith.constant 4 : i32
      %swap3A_101 = arith.index_cast %swap3A_100 : i32 to index
      %swap3A_102 = memref.load %arg11[%swap3A_101] : memref<8xi32, #tpu.memory_space<smem>>
      memref.store %swap3A_99, %arg11[%swap3A_101] : memref<8xi32, #tpu.memory_space<smem>>
      %swap3A_103 = arith.constant 0 : i32
      %swap3A_104 = arith.constant 5 : i32
      %swap3A_105 = arith.index_cast %swap3A_104 : i32 to index
      %swap3A_106 = memref.load %arg11[%swap3A_105] : memref<8xi32, #tpu.memory_space<smem>>
      memref.store %swap3A_103, %arg11[%swap3A_105] : memref<8xi32, #tpu.memory_space<smem>>
      %swap3A_107 = arith.constant 0 : i32
      %swap3A_108 = arith.constant 6 : i32
      %swap3A_109 = arith.index_cast %swap3A_108 : i32 to index
      %swap3A_110 = memref.load %arg11[%swap3A_109] : memref<8xi32, #tpu.memory_space<smem>>
      memref.store %swap3A_107, %arg11[%swap3A_109] : memref<8xi32, #tpu.memory_space<smem>>
      %swap3A_111 = arith.constant 0 : i32
      %swap3A_112 = arith.constant 7 : i32
      %swap3A_113 = arith.index_cast %swap3A_112 : i32 to index
      %swap3A_114 = memref.load %arg11[%swap3A_113] : memref<8xi32, #tpu.memory_space<smem>>
      memref.store %swap3A_111, %arg11[%swap3A_113] : memref<8xi32, #tpu.memory_space<smem>>
      %max3A = arith.maximumf %get3A_65, %get3A_69 : vector<16xf32>
      %max3A_115 = arith.maximumf %get3A_73, %select_n3A : vector<16xf32>
      %max3A_116 = arith.maximumf %max3A, %max3A_115 : vector<16xf32>
      %reduce_max3A = arith.constant true
      %reduce_max3A_117 = vector.broadcast %reduce_max3A : i1 to vector<16xi1>
      %reduce_max3A_118 = tpu.scan <max>, %max3A_116 masked %reduce_max3A_117 : vector<16xf32>, vector<16xi1> -> vector<16xf32>
      %reduce_max3A_119 = vector.extract %reduce_max3A_118[15] : f32 from vector<16xf32>
      %eq3A = vector.broadcast %reduce_max3A_119 : f32 to vector<16xf32>
      %eq3A_120 = arith.cmpf oeq, %get3A_65, %eq3A : vector<16xf32>
      %eq3A_121 = vector.broadcast %reduce_max3A_119 : f32 to vector<16xf32>
      %eq3A_122 = arith.cmpf oeq, %get3A_69, %eq3A_121 : vector<16xf32>
      %eq3A_123 = vector.broadcast %reduce_max3A_119 : f32 to vector<16xf32>
      %eq3A_124 = arith.cmpf oeq, %get3A_73, %eq3A_123 : vector<16xf32>
      %eq3A_125 = vector.broadcast %reduce_max3A_119 : f32 to vector<16xf32>
      %eq3A_126 = arith.cmpf oeq, %select_n3A, %eq3A_125 : vector<16xf32>
      %all_reduce_ffs3A = tpu.all_reduce %eq3A_120 {dim = 0 : i64, kind = #tpu.reduction_kind<find_first_set>} : vector<16xi1> -> vector<16xi32>
      %all_reduce_ffs3A_127 = tpu.all_reduce %eq3A_122 {dim = 0 : i64, kind = #tpu.reduction_kind<find_first_set>} : vector<16xi1> -> vector<16xi32>
      %all_reduce_ffs3A_128 = tpu.all_reduce %eq3A_124 {dim = 0 : i64, kind = #tpu.reduction_kind<find_first_set>} : vector<16xi1> -> vector<16xi32>
      %all_reduce_ffs3A_129 = tpu.all_reduce %eq3A_126 {dim = 0 : i64, kind = #tpu.reduction_kind<find_first_set>} : vector<16xi1> -> vector<16xi32>
      %all_reduce_population_count3A = tpu.all_reduce %eq3A_120 {dim = 0 : i64, kind = #tpu.reduction_kind<sum>} : vector<16xi1> -> vector<16xi32>
      %all_reduce_population_count3A_130 = tpu.all_reduce %eq3A_122 {dim = 0 : i64, kind = #tpu.reduction_kind<sum>} : vector<16xi1> -> vector<16xi32>
      %all_reduce_population_count3A_131 = tpu.all_reduce %eq3A_124 {dim = 0 : i64, kind = #tpu.reduction_kind<sum>} : vector<16xi1> -> vector<16xi32>
      %gt3A = vector.broadcast %scan3A : i32 to vector<16xi32>
      %gt3A_132 = arith.cmpi sgt, %all_reduce_population_count3A, %gt3A : vector<16xi32>
      %gt3A_133 = vector.broadcast %scan3A : i32 to vector<16xi32>
      %gt3A_134 = arith.cmpi sgt, %all_reduce_population_count3A_130, %gt3A_133 : vector<16xi32>
      %add3A_135 = arith.constant 16 : i32
      %add3A_136 = vector.broadcast %add3A_135 : i32 to vector<16xi32>
      %add3A_137 = arith.addi %all_reduce_ffs3A_127, %add3A_136 : vector<16xi32>
      %gt3A_138 = vector.broadcast %scan3A : i32 to vector<16xi32>
      %gt3A_139 = arith.cmpi sgt, %all_reduce_population_count3A_131, %gt3A_138 : vector<16xi32>
      %add3A_140 = arith.constant 32 : i32
      %add3A_141 = vector.broadcast %add3A_140 : i32 to vector<16xi32>
      %add3A_142 = arith.addi %all_reduce_ffs3A_128, %add3A_141 : vector<16xi32>
      %add3A_143 = arith.constant 48 : i32
      %add3A_144 = vector.broadcast %add3A_143 : i32 to vector<16xi32>
      %add3A_145 = arith.addi %all_reduce_ffs3A_129, %add3A_144 : vector<16xi32>
      %select_n3A_146 = arith.select %gt3A_139, %add3A_142, %add3A_145 : vector<16xi1>, vector<16xi32>
      %select_n3A_147 = arith.select %gt3A_134, %add3A_137, %select_n3A_146 : vector<16xi1>, vector<16xi32>
      %select_n3A_148 = arith.select %gt3A_132, %all_reduce_ffs3A, %select_n3A_147 : vector<16xi1>, vector<16xi32>
      %eq3A_149 = arith.cmpi eq, %iota3A, %select_n3A_148 : vector<16xi32>
      %jit3A_150 = arith.constant 0xFF800000 : f32
      %broadcast_in_dim3A_151 = vector.broadcast %jit3A_150 : f32 to vector<16xf32>
      %select_n3A_152 = arith.select %eq3A_149, %broadcast_in_dim3A_151, %get3A_65 : vector<16xi1>, vector<16xf32>
      %add3A_153 = arith.constant 16 : i32
      %add3A_154 = vector.broadcast %add3A_153 : i32 to vector<16xi32>
      %add3A_155 = arith.addi %iota3A, %add3A_154 : vector<16xi32>
      %eq3A_156 = arith.cmpi eq, %add3A_155, %select_n3A_148 : vector<16xi32>
      %jit3A_157 = arith.constant 0xFF800000 : f32
      %broadcast_in_dim3A_158 = vector.broadcast %jit3A_157 : f32 to vector<16xf32>
      %select_n3A_159 = arith.select %eq3A_156, %broadcast_in_dim3A_158, %get3A_69 : vector<16xi1>, vector<16xf32>
      %add3A_160 = arith.constant 32 : i32
      %add3A_161 = vector.broadcast %add3A_160 : i32 to vector<16xi32>
      %add3A_162 = arith.addi %iota3A, %add3A_161 : vector<16xi32>
      %eq3A_163 = arith.cmpi eq, %add3A_162, %select_n3A_148 : vector<16xi32>
      %jit3A_164 = arith.constant 0xFF800000 : f32
      %broadcast_in_dim3A_165 = vector.broadcast %jit3A_164 : f32 to vector<16xf32>
      %select_n3A_166 = arith.select %eq3A_163, %broadcast_in_dim3A_165, %get3A_73 : vector<16xi1>, vector<16xf32>
      %add3A_167 = arith.constant 48 : i32
      %add3A_168 = vector.broadcast %add3A_167 : i32 to vector<16xi32>
      %add3A_169 = arith.addi %iota3A, %add3A_168 : vector<16xi32>
      %eq3A_170 = arith.cmpi eq, %add3A_169, %select_n3A_148 : vector<16xi32>
      %jit3A_171 = arith.constant 0xFF800000 : f32
      %broadcast_in_dim3A_172 = vector.broadcast %jit3A_171 : f32 to vector<16xf32>
      %select_n3A_173 = arith.select %eq3A_170, %broadcast_in_dim3A_172, %select_n3A : vector<16xi1>, vector<16xf32>
      %slice3A = vector.extract_strided_slice %select_n3A_148 {offsets = [0], sizes = [1], strides = [1]} : vector<16xi32> to vector<1xi32>
      %squeeze3A = vector.extract %slice3A[0] : i32 from vector<1xi32>
      %mul3A_174 = arith.constant 60 : i32
      %mul3A_175 = arith.muli %squeeze3A, %mul3A_174 : i32
      %add3A_176 = arith.addi %mul3A_82, %mul3A_175 : i32
      %swap3A_177 = arith.constant 0 : i32
      %swap3A_178 = arith.index_cast %swap3A_177 : i32 to index
      %swap3A_179 = memref.load %arg11[%swap3A_178] : memref<8xi32, #tpu.memory_space<smem>>
      memref.store %add3A_176, %arg11[%swap3A_178] : memref<8xi32, #tpu.memory_space<smem>>
      %add3A_180 = vector.broadcast %add3A_176 : i32 to vector<16xi32>
      %add3A_181 = arith.addi %add3A_180, %mul3A_27 : vector<16xi32>
      %gather3A = tpu.vector_load_idx %arg6[%add3A_181] : memref<24064xf32, #tpu.memory_space<vmem>>[vector<16xi32>], vector<16xf32>,
      %add3A_182 = arith.constant 32 : i32
      %add3A_183 = arith.addi %add3A_176, %add3A_182 : i32
      %add3A_184 = vector.broadcast %add3A_183 : i32 to vector<16xi32>
      %add3A_185 = arith.addi %add3A_184, %mul3A_27 : vector<16xi32>
      %gather3A_186 = tpu.vector_load_idx %arg6[%add3A_185] : memref<24064xf32, #tpu.memory_space<vmem>>[vector<16xi32>], vector<16xf32>,
      %add3A_187 = arith.constant 1 : i32
      %add3A_188 = arith.addi %add3A_176, %add3A_187 : i32
      %add3A_189 = vector.broadcast %add3A_188 : i32 to vector<16xi32>
      %add3A_190 = arith.addi %add3A_189, %mul3A_27 : vector<16xi32>
      %gather3A_191 = tpu.vector_load_idx %arg6[%add3A_190] : memref<24064xf32, #tpu.memory_space<vmem>>[vector<16xi32>], vector<16xf32>,
      %add3A_192 = arith.constant 33 : i32
      %add3A_193 = arith.addi %add3A_176, %add3A_192 : i32
      %add3A_194 = vector.broadcast %add3A_193 : i32 to vector<16xi32>
      %add3A_195 = arith.addi %add3A_194, %mul3A_27 : vector<16xi32>
      %gather3A_196 = tpu.vector_load_idx %arg6[%add3A_195] : memref<24064xf32, #tpu.memory_space<vmem>>[vector<16xi32>], vector<16xf32>,
      %swap3A_197 = arith.constant 0 : index
      %swap3A_198 = tpu.vector_load %arg10[%swap3A_197] {strides = array<i32>} : memref<448xf32, #tpu.memory_space<vmem>>, vector<16xf32>,
      tpu.vector_store %arg10[%swap3A_197], %gather3A {strides = array<i32>} : memref<448xf32, #tpu.memory_space<vmem>>, vector<16xf32>,
      %swap3A_199 = arith.constant 16 : index
      %swap3A_200 = tpu.vector_load %arg10[%swap3A_199] {strides = array<i32>} : memref<448xf32, #tpu.memory_space<vmem>>, vector<16xf32>,
      tpu.vector_store %arg10[%swap3A_199], %gather3A_186 {strides = array<i32>} : memref<448xf32, #tpu.memory_space<vmem>>, vector<16xf32>,
      %swap3A_201 = arith.constant 32 : index
      %swap3A_202 = tpu.vector_load %arg10[%swap3A_201] {strides = array<i32>} : memref<448xf32, #tpu.memory_space<vmem>>, vector<16xf32>,
      tpu.vector_store %arg10[%swap3A_201], %gather3A_191 {strides = array<i32>} : memref<448xf32, #tpu.memory_space<vmem>>, vector<16xf32>,
      %swap3A_203 = arith.constant 48 : index
      %swap3A_204 = tpu.vector_load %arg10[%swap3A_203] {strides = array<i32>} : memref<448xf32, #tpu.memory_space<vmem>>, vector<16xf32>,
      tpu.vector_store %arg10[%swap3A_203], %gather3A_196 {strides = array<i32>} : memref<448xf32, #tpu.memory_space<vmem>>, vector<16xf32>,
      %while3A = arith.constant 1 : i32
      %while3A_205 = arith.constant 1 : i32
      %while3A_206:6 = scf.while (%while3A_555 = %while3A, %while3A_556 = %while3A_205, %while3A_557 = %select_n3A_152, %while3A_558 = %select_n3A_159, %while3A_559 = %select_n3A_166, %while3A_560 = %select_n3A_173) : (i32, i32, vector<16xf32>, vector<16xf32>, vector<16xf32>, vector<16xf32>) -> (i32, i32, vector<16xf32>, vector<16xf32>, vector<16xf32>, vector<16xf32>) {
        %lt3A_561 = arith.constant 50 : i32
        %lt3A_562 = arith.cmpi slt, %while3A_555, %lt3A_561 : i32
        %lt3A_563 = arith.constant 6 : i32
        %lt3A_564 = arith.cmpi slt, %while3A_556, %lt3A_563 : i32
        %and3A = arith.andi %lt3A_562, %lt3A_564 : i1
        scf.condition(%and3A) %while3A_555, %while3A_556, %while3A_557, %while3A_558, %while3A_559, %while3A_560 : i32, i32, vector<16xf32>, vector<16xf32>, vector<16xf32>, vector<16xf32>
      } do {
      ^bb0(%while3A_555: i32, %while3A_556: i32, %while3A_557: vector<16xf32>, %while3A_558: vector<16xf32>, %while3A_559: vector<16xf32>, %while3A_560: vector<16xf32>):
        %max3A_561 = arith.maximumf %while3A_557, %while3A_558 : vector<16xf32>
        %max3A_562 = arith.maximumf %while3A_559, %while3A_560 : vector<16xf32>
        %max3A_563 = arith.maximumf %max3A_561, %max3A_562 : vector<16xf32>
        %reduce_max3A_564 = arith.constant true
        %reduce_max3A_565 = vector.broadcast %reduce_max3A_564 : i1 to vector<16xi1>
        %reduce_max3A_566 = tpu.scan <max>, %max3A_563 masked %reduce_max3A_565 : vector<16xf32>, vector<16xi1> -> vector<16xf32>
        %reduce_max3A_567 = vector.extract %reduce_max3A_566[15] : f32 from vector<16xf32>
        %eq3A_568 = vector.broadcast %reduce_max3A_567 : f32 to vector<16xf32>
        %eq3A_569 = arith.cmpf oeq, %while3A_557, %eq3A_568 : vector<16xf32>
        %eq3A_570 = vector.broadcast %reduce_max3A_567 : f32 to vector<16xf32>
        %eq3A_571 = arith.cmpf oeq, %while3A_558, %eq3A_570 : vector<16xf32>
        %eq3A_572 = vector.broadcast %reduce_max3A_567 : f32 to vector<16xf32>
        %eq3A_573 = arith.cmpf oeq, %while3A_559, %eq3A_572 : vector<16xf32>
        %eq3A_574 = vector.broadcast %reduce_max3A_567 : f32 to vector<16xf32>
        %eq3A_575 = arith.cmpf oeq, %while3A_560, %eq3A_574 : vector<16xf32>
        %all_reduce_ffs3A_576 = tpu.all_reduce %eq3A_569 {dim = 0 : i64, kind = #tpu.reduction_kind<find_first_set>} : vector<16xi1> -> vector<16xi32>
        %all_reduce_ffs3A_577 = tpu.all_reduce %eq3A_571 {dim = 0 : i64, kind = #tpu.reduction_kind<find_first_set>} : vector<16xi1> -> vector<16xi32>
        %all_reduce_ffs3A_578 = tpu.all_reduce %eq3A_573 {dim = 0 : i64, kind = #tpu.reduction_kind<find_first_set>} : vector<16xi1> -> vector<16xi32>
        %all_reduce_ffs3A_579 = tpu.all_reduce %eq3A_575 {dim = 0 : i64, kind = #tpu.reduction_kind<find_first_set>} : vector<16xi1> -> vector<16xi32>
        %all_reduce_population_count3A_580 = tpu.all_reduce %eq3A_569 {dim = 0 : i64, kind = #tpu.reduction_kind<sum>} : vector<16xi1> -> vector<16xi32>
        %all_reduce_population_count3A_581 = tpu.all_reduce %eq3A_571 {dim = 0 : i64, kind = #tpu.reduction_kind<sum>} : vector<16xi1> -> vector<16xi32>
        %all_reduce_population_count3A_582 = tpu.all_reduce %eq3A_573 {dim = 0 : i64, kind = #tpu.reduction_kind<sum>} : vector<16xi1> -> vector<16xi32>
        %gt3A_583 = vector.broadcast %scan3A : i32 to vector<16xi32>
        %gt3A_584 = arith.cmpi sgt, %all_reduce_population_count3A_580, %gt3A_583 : vector<16xi32>
        %gt3A_585 = vector.broadcast %scan3A : i32 to vector<16xi32>
        %gt3A_586 = arith.cmpi sgt, %all_reduce_population_count3A_581, %gt3A_585 : vector<16xi32>
        %add3A_587 = arith.constant 16 : i32
        %add3A_588 = vector.broadcast %add3A_587 : i32 to vector<16xi32>
        %add3A_589 = arith.addi %all_reduce_ffs3A_577, %add3A_588 : vector<16xi32>
        %gt3A_590 = vector.broadcast %scan3A : i32 to vector<16xi32>
        %gt3A_591 = arith.cmpi sgt, %all_reduce_population_count3A_582, %gt3A_590 : vector<16xi32>
        %add3A_592 = arith.constant 32 : i32
        %add3A_593 = vector.broadcast %add3A_592 : i32 to vector<16xi32>
        %add3A_594 = arith.addi %all_reduce_ffs3A_578, %add3A_593 : vector<16xi32>
        %add3A_595 = arith.constant 48 : i32
        %add3A_596 = vector.broadcast %add3A_595 : i32 to vector<16xi32>
        %add3A_597 = arith.addi %all_reduce_ffs3A_579, %add3A_596 : vector<16xi32>
        %select_n3A_598 = arith.select %gt3A_591, %add3A_594, %add3A_597 : vector<16xi1>, vector<16xi32>
        %select_n3A_599 = arith.select %gt3A_586, %add3A_589, %select_n3A_598 : vector<16xi1>, vector<16xi32>
        %select_n3A_600 = arith.select %gt3A_584, %all_reduce_ffs3A_576, %select_n3A_599 : vector<16xi1>, vector<16xi32>
        %eq3A_601 = arith.cmpi eq, %iota3A, %select_n3A_600 : vector<16xi32>
        %jit3A_602 = arith.constant 0xFF800000 : f32
        %broadcast_in_dim3A_603 = vector.broadcast %jit3A_602 : f32 to vector<16xf32>
        %select_n3A_604 = arith.select %eq3A_601, %broadcast_in_dim3A_603, %while3A_557 : vector<16xi1>, vector<16xf32>
        %add3A_605 = arith.constant 16 : i32
        %add3A_606 = vector.broadcast %add3A_605 : i32 to vector<16xi32>
        %add3A_607 = arith.addi %iota3A, %add3A_606 : vector<16xi32>
        %eq3A_608 = arith.cmpi eq, %add3A_607, %select_n3A_600 : vector<16xi32>
        %jit3A_609 = arith.constant 0xFF800000 : f32
        %broadcast_in_dim3A_610 = vector.broadcast %jit3A_609 : f32 to vector<16xf32>
        %select_n3A_611 = arith.select %eq3A_608, %broadcast_in_dim3A_610, %while3A_558 : vector<16xi1>, vector<16xf32>
        %add3A_612 = arith.constant 32 : i32
        %add3A_613 = vector.broadcast %add3A_612 : i32 to vector<16xi32>
        %add3A_614 = arith.addi %iota3A, %add3A_613 : vector<16xi32>
        %eq3A_615 = arith.cmpi eq, %add3A_614, %select_n3A_600 : vector<16xi32>
        %jit3A_616 = arith.constant 0xFF800000 : f32
        %broadcast_in_dim3A_617 = vector.broadcast %jit3A_616 : f32 to vector<16xf32>
        %select_n3A_618 = arith.select %eq3A_615, %broadcast_in_dim3A_617, %while3A_559 : vector<16xi1>, vector<16xf32>
        %add3A_619 = arith.constant 48 : i32
        %add3A_620 = vector.broadcast %add3A_619 : i32 to vector<16xi32>
        %add3A_621 = arith.addi %iota3A, %add3A_620 : vector<16xi32>
        %eq3A_622 = arith.cmpi eq, %add3A_621, %select_n3A_600 : vector<16xi32>
        %jit3A_623 = arith.constant 0xFF800000 : f32
        %broadcast_in_dim3A_624 = vector.broadcast %jit3A_623 : f32 to vector<16xf32>
        %select_n3A_625 = arith.select %eq3A_622, %broadcast_in_dim3A_624, %while3A_560 : vector<16xi1>, vector<16xf32>
        %slice3A_626 = vector.extract_strided_slice %select_n3A_600 {offsets = [0], sizes = [1], strides = [1]} : vector<16xi32> to vector<1xi32>
        %squeeze3A_627 = vector.extract %slice3A_626[0] : i32 from vector<1xi32>
        %mul3A_628 = arith.constant 60 : i32
        %mul3A_629 = arith.muli %squeeze3A_627, %mul3A_628 : i32
        %add3A_630 = arith.addi %mul3A_82, %mul3A_629 : i32
        %add3A_631 = vector.broadcast %add3A_630 : i32 to vector<16xi32>
        %add3A_632 = arith.addi %add3A_631, %mul3A_27 : vector<16xi32>
        %gather3A_633 = tpu.vector_load_idx %arg6[%add3A_632] : memref<24064xf32, #tpu.memory_space<vmem>>[vector<16xi32>], vector<16xf32>,
        %add3A_634 = arith.constant 32 : i32
        %add3A_635 = arith.addi %add3A_630, %add3A_634 : i32
        %add3A_636 = vector.broadcast %add3A_635 : i32 to vector<16xi32>
        %add3A_637 = arith.addi %add3A_636, %mul3A_27 : vector<16xi32>
        %gather3A_638 = tpu.vector_load_idx %arg6[%add3A_637] : memref<24064xf32, #tpu.memory_space<vmem>>[vector<16xi32>], vector<16xf32>,
        %add3A_639 = arith.constant 1 : i32
        %add3A_640 = arith.addi %add3A_630, %add3A_639 : i32
        %add3A_641 = vector.broadcast %add3A_640 : i32 to vector<16xi32>
        %add3A_642 = arith.addi %add3A_641, %mul3A_27 : vector<16xi32>
        %gather3A_643 = tpu.vector_load_idx %arg6[%add3A_642] : memref<24064xf32, #tpu.memory_space<vmem>>[vector<16xi32>], vector<16xf32>,
        %add3A_644 = arith.constant 33 : i32
        %add3A_645 = arith.addi %add3A_630, %add3A_644 : i32
        %add3A_646 = vector.broadcast %add3A_645 : i32 to vector<16xi32>
        %add3A_647 = arith.addi %add3A_646, %mul3A_27 : vector<16xi32>
        %gather3A_648 = tpu.vector_load_idx %arg6[%add3A_647] : memref<24064xf32, #tpu.memory_space<vmem>>[vector<16xi32>], vector<16xf32>,
        %broadcast_in_dim3A_649 = arith.constant false
        %broadcast_in_dim3A_650 = vector.broadcast %broadcast_in_dim3A_649 : i1 to vector<16xi1>
        %get3A_651 = arith.constant 0 : index
        %get3A_652 = tpu.vector_load %arg10[%get3A_651] {strides = array<i32>} : memref<448xf32, #tpu.memory_space<vmem>>, vector<16xf32>,
        %get3A_653 = arith.constant 16 : index
        %get3A_654 = tpu.vector_load %arg10[%get3A_653] {strides = array<i32>} : memref<448xf32, #tpu.memory_space<vmem>>, vector<16xf32>,
        %get3A_655 = arith.constant 32 : index
        %get3A_656 = tpu.vector_load %arg10[%get3A_655] {strides = array<i32>} : memref<448xf32, #tpu.memory_space<vmem>>, vector<16xf32>,
        %get3A_657 = arith.constant 48 : index
        %get3A_658 = tpu.vector_load %arg10[%get3A_657] {strides = array<i32>} : memref<448xf32, #tpu.memory_space<vmem>>, vector<16xf32>,
        %sub3A = arith.subf %gather3A_633, %get3A_652 : vector<16xf32>
        %sub3A_659 = arith.subf %gather3A_643, %get3A_656 : vector<16xf32>
        %sub3A_660 = arith.subf %gather3A_638, %get3A_654 : vector<16xf32>
        %sub3A_661 = arith.subf %gather3A_648, %get3A_658 : vector<16xf32>
        %mul3A_662 = arith.mulf %sub3A, %sub3A : vector<16xf32>
        %mul3A_663 = arith.mulf %sub3A_659, %sub3A_659 : vector<16xf32>
        %add3A_664 = arith.addf %mul3A_662, %mul3A_663 : vector<16xf32>
        %mul3A_665 = arith.mulf %sub3A_660, %sub3A_660 : vector<16xf32>
        %mul3A_666 = arith.mulf %sub3A_661, %sub3A_661 : vector<16xf32>
        %add3A_667 = arith.addf %mul3A_665, %mul3A_666 : vector<16xf32>
        %lt3A_668 = arith.constant 2.000000e-01 : f32
        %lt3A_669 = vector.broadcast %lt3A_668 : f32 to vector<16xf32>
        %lt3A_670 = arith.cmpf olt, %add3A_664, %lt3A_669 : vector<16xf32>
        %lt3A_671 = arith.constant 2.000000e-01 : f32
        %lt3A_672 = vector.broadcast %lt3A_671 : f32 to vector<16xf32>
        %lt3A_673 = arith.cmpf olt, %add3A_667, %lt3A_672 : vector<16xf32>
        %or3A = arith.ori %lt3A_673, %ge3A_29 : vector<16xi1>
        %all_reduce_population_count3A_674 = tpu.all_reduce %lt3A_670 {dim = 0 : i64, kind = #tpu.reduction_kind<sum>} : vector<16xi1> -> vector<16xi32>
        %all_reduce_population_count3A_675 = tpu.all_reduce %or3A {dim = 0 : i64, kind = #tpu.reduction_kind<sum>} : vector<16xi1> -> vector<16xi32>
        %add3A_676 = arith.addi %all_reduce_population_count3A_674, %all_reduce_population_count3A_675 : vector<16xi32>
        %eq3A_677 = vector.broadcast %scan3A_31 : i32 to vector<16xi32>
        %eq3A_678 = arith.cmpi eq, %add3A_676, %eq3A_677 : vector<16xi32>
        %gt3A_679 = arith.constant 0 : i32
        %gt3A_680 = arith.cmpi sgt, %while3A_556, %gt3A_679 : i32
        %and3A = vector.broadcast %gt3A_680 : i1 to vector<16xi1>
        %and3A_681 = arith.andi %eq3A_678, %and3A : vector<16xi1>
        %or3A_682 = arith.ori %broadcast_in_dim3A_650, %and3A_681 : vector<16xi1>
        %get3A_683 = arith.constant 64 : index
        %get3A_684 = tpu.vector_load %arg10[%get3A_683] {strides = array<i32>} : memref<448xf32, #tpu.memory_space<vmem>>, vector<16xf32>,
        %get3A_685 = arith.constant 80 : index
        %get3A_686 = tpu.vector_load %arg10[%get3A_685] {strides = array<i32>} : memref<448xf32, #tpu.memory_space<vmem>>, vector<16xf32>,
        %get3A_687 = arith.constant 96 : index
        %get3A_688 = tpu.vector_load %arg10[%get3A_687] {strides = array<i32>} : memref<448xf32, #tpu.memory_space<vmem>>, vector<16xf32>,
        %get3A_689 = arith.constant 112 : index
        %get3A_690 = tpu.vector_load %arg10[%get3A_689] {strides = array<i32>} : memref<448xf32, #tpu.memory_space<vmem>>, vector<16xf32>,
        %sub3A_691 = arith.subf %gather3A_633, %get3A_684 : vector<16xf32>
        %sub3A_692 = arith.subf %gather3A_643, %get3A_688 : vector<16xf32>
        %sub3A_693 = arith.subf %gather3A_638, %get3A_686 : vector<16xf32>
        %sub3A_694 = arith.subf %gather3A_648, %get3A_690 : vector<16xf32>
        %mul3A_695 = arith.mulf %sub3A_691, %sub3A_691 : vector<16xf32>
        %mul3A_696 = arith.mulf %sub3A_692, %sub3A_692 : vector<16xf32>
        %add3A_697 = arith.addf %mul3A_695, %mul3A_696 : vector<16xf32>
        %mul3A_698 = arith.mulf %sub3A_693, %sub3A_693 : vector<16xf32>
        %mul3A_699 = arith.mulf %sub3A_694, %sub3A_694 : vector<16xf32>
        %add3A_700 = arith.addf %mul3A_698, %mul3A_699 : vector<16xf32>
        %lt3A_701 = arith.constant 2.000000e-01 : f32
        %lt3A_702 = vector.broadcast %lt3A_701 : f32 to vector<16xf32>
        %lt3A_703 = arith.cmpf olt, %add3A_697, %lt3A_702 : vector<16xf32>
        %lt3A_704 = arith.constant 2.000000e-01 : f32
        %lt3A_705 = vector.broadcast %lt3A_704 : f32 to vector<16xf32>
        %lt3A_706 = arith.cmpf olt, %add3A_700, %lt3A_705 : vector<16xf32>
        %or3A_707 = arith.ori %lt3A_706, %ge3A_29 : vector<16xi1>
        %all_reduce_population_count3A_708 = tpu.all_reduce %lt3A_703 {dim = 0 : i64, kind = #tpu.reduction_kind<sum>} : vector<16xi1> -> vector<16xi32>
        %all_reduce_population_count3A_709 = tpu.all_reduce %or3A_707 {dim = 0 : i64, kind = #tpu.reduction_kind<sum>} : vector<16xi1> -> vector<16xi32>
        %add3A_710 = arith.addi %all_reduce_population_count3A_708, %all_reduce_population_count3A_709 : vector<16xi32>
        %eq3A_711 = vector.broadcast %scan3A_31 : i32 to vector<16xi32>
        %eq3A_712 = arith.cmpi eq, %add3A_710, %eq3A_711 : vector<16xi32>
        %gt3A_713 = arith.constant 1 : i32
        %gt3A_714 = arith.cmpi sgt, %while3A_556, %gt3A_713 : i32
        %and3A_715 = vector.broadcast %gt3A_714 : i1 to vector<16xi1>
        %and3A_716 = arith.andi %eq3A_712, %and3A_715 : vector<16xi1>
        %or3A_717 = arith.ori %or3A_682, %and3A_716 : vector<16xi1>
        %get3A_718 = arith.constant 128 : index
        %get3A_719 = tpu.vector_load %arg10[%get3A_718] {strides = array<i32>} : memref<448xf32, #tpu.memory_space<vmem>>, vector<16xf32>,
        %get3A_720 = arith.constant 144 : index
        %get3A_721 = tpu.vector_load %arg10[%get3A_720] {strides = array<i32>} : memref<448xf32, #tpu.memory_space<vmem>>, vector<16xf32>,
        %get3A_722 = arith.constant 160 : index
        %get3A_723 = tpu.vector_load %arg10[%get3A_722] {strides = array<i32>} : memref<448xf32, #tpu.memory_space<vmem>>, vector<16xf32>,
        %get3A_724 = arith.constant 176 : index
        %get3A_725 = tpu.vector_load %arg10[%get3A_724] {strides = array<i32>} : memref<448xf32, #tpu.memory_space<vmem>>, vector<16xf32>,
        %sub3A_726 = arith.subf %gather3A_633, %get3A_719 : vector<16xf32>
        %sub3A_727 = arith.subf %gather3A_643, %get3A_723 : vector<16xf32>
        %sub3A_728 = arith.subf %gather3A_638, %get3A_721 : vector<16xf32>
        %sub3A_729 = arith.subf %gather3A_648, %get3A_725 : vector<16xf32>
        %mul3A_730 = arith.mulf %sub3A_726, %sub3A_726 : vector<16xf32>
        %mul3A_731 = arith.mulf %sub3A_727, %sub3A_727 : vector<16xf32>
        %add3A_732 = arith.addf %mul3A_730, %mul3A_731 : vector<16xf32>
        %mul3A_733 = arith.mulf %sub3A_728, %sub3A_728 : vector<16xf32>
        %mul3A_734 = arith.mulf %sub3A_729, %sub3A_729 : vector<16xf32>
        %add3A_735 = arith.addf %mul3A_733, %mul3A_734 : vector<16xf32>
        %lt3A_736 = arith.constant 2.000000e-01 : f32
        %lt3A_737 = vector.broadcast %lt3A_736 : f32 to vector<16xf32>
        %lt3A_738 = arith.cmpf olt, %add3A_732, %lt3A_737 : vector<16xf32>
        %lt3A_739 = arith.constant 2.000000e-01 : f32
        %lt3A_740 = vector.broadcast %lt3A_739 : f32 to vector<16xf32>
        %lt3A_741 = arith.cmpf olt, %add3A_735, %lt3A_740 : vector<16xf32>
        %or3A_742 = arith.ori %lt3A_741, %ge3A_29 : vector<16xi1>
        %all_reduce_population_count3A_743 = tpu.all_reduce %lt3A_738 {dim = 0 : i64, kind = #tpu.reduction_kind<sum>} : vector<16xi1> -> vector<16xi32>
        %all_reduce_population_count3A_744 = tpu.all_reduce %or3A_742 {dim = 0 : i64, kind = #tpu.reduction_kind<sum>} : vector<16xi1> -> vector<16xi32>
        %add3A_745 = arith.addi %all_reduce_population_count3A_743, %all_reduce_population_count3A_744 : vector<16xi32>
        %eq3A_746 = vector.broadcast %scan3A_31 : i32 to vector<16xi32>
        %eq3A_747 = arith.cmpi eq, %add3A_745, %eq3A_746 : vector<16xi32>
        %gt3A_748 = arith.constant 2 : i32
        %gt3A_749 = arith.cmpi sgt, %while3A_556, %gt3A_748 : i32
        %and3A_750 = vector.broadcast %gt3A_749 : i1 to vector<16xi1>
        %and3A_751 = arith.andi %eq3A_747, %and3A_750 : vector<16xi1>
        %or3A_752 = arith.ori %or3A_717, %and3A_751 : vector<16xi1>
        %get3A_753 = arith.constant 192 : index
        %get3A_754 = tpu.vector_load %arg10[%get3A_753] {strides = array<i32>} : memref<448xf32, #tpu.memory_space<vmem>>, vector<16xf32>,
        %get3A_755 = arith.constant 208 : index
        %get3A_756 = tpu.vector_load %arg10[%get3A_755] {strides = array<i32>} : memref<448xf32, #tpu.memory_space<vmem>>, vector<16xf32>,
        %get3A_757 = arith.constant 224 : index
        %get3A_758 = tpu.vector_load %arg10[%get3A_757] {strides = array<i32>} : memref<448xf32, #tpu.memory_space<vmem>>, vector<16xf32>,
        %get3A_759 = arith.constant 240 : index
        %get3A_760 = tpu.vector_load %arg10[%get3A_759] {strides = array<i32>} : memref<448xf32, #tpu.memory_space<vmem>>, vector<16xf32>,
        %sub3A_761 = arith.subf %gather3A_633, %get3A_754 : vector<16xf32>
        %sub3A_762 = arith.subf %gather3A_643, %get3A_758 : vector<16xf32>
        %sub3A_763 = arith.subf %gather3A_638, %get3A_756 : vector<16xf32>
        %sub3A_764 = arith.subf %gather3A_648, %get3A_760 : vector<16xf32>
        %mul3A_765 = arith.mulf %sub3A_761, %sub3A_761 : vector<16xf32>
        %mul3A_766 = arith.mulf %sub3A_762, %sub3A_762 : vector<16xf32>
        %add3A_767 = arith.addf %mul3A_765, %mul3A_766 : vector<16xf32>
        %mul3A_768 = arith.mulf %sub3A_763, %sub3A_763 : vector<16xf32>
        %mul3A_769 = arith.mulf %sub3A_764, %sub3A_764 : vector<16xf32>
        %add3A_770 = arith.addf %mul3A_768, %mul3A_769 : vector<16xf32>
        %lt3A_771 = arith.constant 2.000000e-01 : f32
        %lt3A_772 = vector.broadcast %lt3A_771 : f32 to vector<16xf32>
        %lt3A_773 = arith.cmpf olt, %add3A_767, %lt3A_772 : vector<16xf32>
        %lt3A_774 = arith.constant 2.000000e-01 : f32
        %lt3A_775 = vector.broadcast %lt3A_774 : f32 to vector<16xf32>
        %lt3A_776 = arith.cmpf olt, %add3A_770, %lt3A_775 : vector<16xf32>
        %or3A_777 = arith.ori %lt3A_776, %ge3A_29 : vector<16xi1>
        %all_reduce_population_count3A_778 = tpu.all_reduce %lt3A_773 {dim = 0 : i64, kind = #tpu.reduction_kind<sum>} : vector<16xi1> -> vector<16xi32>
        %all_reduce_population_count3A_779 = tpu.all_reduce %or3A_777 {dim = 0 : i64, kind = #tpu.reduction_kind<sum>} : vector<16xi1> -> vector<16xi32>
        %add3A_780 = arith.addi %all_reduce_population_count3A_778, %all_reduce_population_count3A_779 : vector<16xi32>
        %eq3A_781 = vector.broadcast %scan3A_31 : i32 to vector<16xi32>
        %eq3A_782 = arith.cmpi eq, %add3A_780, %eq3A_781 : vector<16xi32>
        %gt3A_783 = arith.constant 3 : i32
        %gt3A_784 = arith.cmpi sgt, %while3A_556, %gt3A_783 : i32
        %and3A_785 = vector.broadcast %gt3A_784 : i1 to vector<16xi1>
        %and3A_786 = arith.andi %eq3A_782, %and3A_785 : vector<16xi1>
        %or3A_787 = arith.ori %or3A_752, %and3A_786 : vector<16xi1>
        %get3A_788 = arith.constant 256 : index
        %get3A_789 = tpu.vector_load %arg10[%get3A_788] {strides = array<i32>} : memref<448xf32, #tpu.memory_space<vmem>>, vector<16xf32>,
        %get3A_790 = arith.constant 272 : index
        %get3A_791 = tpu.vector_load %arg10[%get3A_790] {strides = array<i32>} : memref<448xf32, #tpu.memory_space<vmem>>, vector<16xf32>,
        %get3A_792 = arith.constant 288 : index
        %get3A_793 = tpu.vector_load %arg10[%get3A_792] {strides = array<i32>} : memref<448xf32, #tpu.memory_space<vmem>>, vector<16xf32>,
        %get3A_794 = arith.constant 304 : index
        %get3A_795 = tpu.vector_load %arg10[%get3A_794] {strides = array<i32>} : memref<448xf32, #tpu.memory_space<vmem>>, vector<16xf32>,
        %sub3A_796 = arith.subf %gather3A_633, %get3A_789 : vector<16xf32>
        %sub3A_797 = arith.subf %gather3A_643, %get3A_793 : vector<16xf32>
        %sub3A_798 = arith.subf %gather3A_638, %get3A_791 : vector<16xf32>
        %sub3A_799 = arith.subf %gather3A_648, %get3A_795 : vector<16xf32>
        %mul3A_800 = arith.mulf %sub3A_796, %sub3A_796 : vector<16xf32>
        %mul3A_801 = arith.mulf %sub3A_797, %sub3A_797 : vector<16xf32>
        %add3A_802 = arith.addf %mul3A_800, %mul3A_801 : vector<16xf32>
        %mul3A_803 = arith.mulf %sub3A_798, %sub3A_798 : vector<16xf32>
        %mul3A_804 = arith.mulf %sub3A_799, %sub3A_799 : vector<16xf32>
        %add3A_805 = arith.addf %mul3A_803, %mul3A_804 : vector<16xf32>
        %lt3A_806 = arith.constant 2.000000e-01 : f32
        %lt3A_807 = vector.broadcast %lt3A_806 : f32 to vector<16xf32>
        %lt3A_808 = arith.cmpf olt, %add3A_802, %lt3A_807 : vector<16xf32>
        %lt3A_809 = arith.constant 2.000000e-01 : f32
        %lt3A_810 = vector.broadcast %lt3A_809 : f32 to vector<16xf32>
        %lt3A_811 = arith.cmpf olt, %add3A_805, %lt3A_810 : vector<16xf32>
        %or3A_812 = arith.ori %lt3A_811, %ge3A_29 : vector<16xi1>
        %all_reduce_population_count3A_813 = tpu.all_reduce %lt3A_808 {dim = 0 : i64, kind = #tpu.reduction_kind<sum>} : vector<16xi1> -> vector<16xi32>
        %all_reduce_population_count3A_814 = tpu.all_reduce %or3A_812 {dim = 0 : i64, kind = #tpu.reduction_kind<sum>} : vector<16xi1> -> vector<16xi32>
        %add3A_815 = arith.addi %all_reduce_population_count3A_813, %all_reduce_population_count3A_814 : vector<16xi32>
        %eq3A_816 = vector.broadcast %scan3A_31 : i32 to vector<16xi32>
        %eq3A_817 = arith.cmpi eq, %add3A_815, %eq3A_816 : vector<16xi32>
        %gt3A_818 = arith.constant 4 : i32
        %gt3A_819 = arith.cmpi sgt, %while3A_556, %gt3A_818 : i32
        %and3A_820 = vector.broadcast %gt3A_819 : i1 to vector<16xi1>
        %and3A_821 = arith.andi %eq3A_817, %and3A_820 : vector<16xi1>
        %or3A_822 = arith.ori %or3A_787, %and3A_821 : vector<16xi1>
        %get3A_823 = arith.constant 320 : index
        %get3A_824 = tpu.vector_load %arg10[%get3A_823] {strides = array<i32>} : memref<448xf32, #tpu.memory_space<vmem>>, vector<16xf32>,
        %get3A_825 = arith.constant 336 : index
        %get3A_826 = tpu.vector_load %arg10[%get3A_825] {strides = array<i32>} : memref<448xf32, #tpu.memory_space<vmem>>, vector<16xf32>,
        %get3A_827 = arith.constant 352 : index
        %get3A_828 = tpu.vector_load %arg10[%get3A_827] {strides = array<i32>} : memref<448xf32, #tpu.memory_space<vmem>>, vector<16xf32>,
        %get3A_829 = arith.constant 368 : index
        %get3A_830 = tpu.vector_load %arg10[%get3A_829] {strides = array<i32>} : memref<448xf32, #tpu.memory_space<vmem>>, vector<16xf32>,
        %sub3A_831 = arith.subf %gather3A_633, %get3A_824 : vector<16xf32>
        %sub3A_832 = arith.subf %gather3A_643, %get3A_828 : vector<16xf32>
        %sub3A_833 = arith.subf %gather3A_638, %get3A_826 : vector<16xf32>
        %sub3A_834 = arith.subf %gather3A_648, %get3A_830 : vector<16xf32>
        %mul3A_835 = arith.mulf %sub3A_831, %sub3A_831 : vector<16xf32>
        %mul3A_836 = arith.mulf %sub3A_832, %sub3A_832 : vector<16xf32>
        %add3A_837 = arith.addf %mul3A_835, %mul3A_836 : vector<16xf32>
        %mul3A_838 = arith.mulf %sub3A_833, %sub3A_833 : vector<16xf32>
        %mul3A_839 = arith.mulf %sub3A_834, %sub3A_834 : vector<16xf32>
        %add3A_840 = arith.addf %mul3A_838, %mul3A_839 : vector<16xf32>
        %lt3A_841 = arith.constant 2.000000e-01 : f32
        %lt3A_842 = vector.broadcast %lt3A_841 : f32 to vector<16xf32>
        %lt3A_843 = arith.cmpf olt, %add3A_837, %lt3A_842 : vector<16xf32>
        %lt3A_844 = arith.constant 2.000000e-01 : f32
        %lt3A_845 = vector.broadcast %lt3A_844 : f32 to vector<16xf32>
        %lt3A_846 = arith.cmpf olt, %add3A_840, %lt3A_845 : vector<16xf32>
        %or3A_847 = arith.ori %lt3A_846, %ge3A_29 : vector<16xi1>
        %all_reduce_population_count3A_848 = tpu.all_reduce %lt3A_843 {dim = 0 : i64, kind = #tpu.reduction_kind<sum>} : vector<16xi1> -> vector<16xi32>
        %all_reduce_population_count3A_849 = tpu.all_reduce %or3A_847 {dim = 0 : i64, kind = #tpu.reduction_kind<sum>} : vector<16xi1> -> vector<16xi32>
        %add3A_850 = arith.addi %all_reduce_population_count3A_848, %all_reduce_population_count3A_849 : vector<16xi32>
        %eq3A_851 = vector.broadcast %scan3A_31 : i32 to vector<16xi32>
        %eq3A_852 = arith.cmpi eq, %add3A_850, %eq3A_851 : vector<16xi32>
        %gt3A_853 = arith.constant 5 : i32
        %gt3A_854 = arith.cmpi sgt, %while3A_556, %gt3A_853 : i32
        %and3A_855 = vector.broadcast %gt3A_854 : i1 to vector<16xi1>
        %and3A_856 = arith.andi %eq3A_852, %and3A_855 : vector<16xi1>
        %or3A_857 = arith.ori %or3A_822, %and3A_856 : vector<16xi1>
        %all_reduce_population_count3A_858 = tpu.all_reduce %or3A_857 {dim = 0 : i64, kind = #tpu.reduction_kind<sum>} : vector<16xi1> -> vector<16xi32>
        %slice3A_859 = vector.extract_strided_slice %all_reduce_population_count3A_858 {offsets = [0], sizes = [1], strides = [1]} : vector<16xi32> to vector<1xi32>
        %squeeze3A_860 = vector.extract %slice3A_859[0] : i32 from vector<1xi32>
        %eq3A_861 = arith.cmpi eq, %squeeze3A_860, %scan3A : i32
        %jit3A_862 = arith.constant 6 : i32
        %select_n3A_863 = arith.select %eq3A_861, %while3A_556, %jit3A_862 : i32
        %mul3A_864 = arith.constant 64 : i32
        %mul3A_865 = arith.muli %select_n3A_863, %mul3A_864 : i32
        %swap3A_866 = arith.index_cast %mul3A_865 : i32 to index
        %swap3A_867 = tpu.vector_load %arg10[%swap3A_866] {strides = array<i32>} : memref<448xf32, #tpu.memory_space<vmem>>, vector<16xf32>,
        tpu.vector_store %arg10[%swap3A_866], %gather3A_633 {strides = array<i32>} : memref<448xf32, #tpu.memory_space<vmem>>, vector<16xf32>,
        %add3A_868 = arith.constant 16 : i32
        %add3A_869 = arith.addi %mul3A_865, %add3A_868 : i32
        %swap3A_870 = arith.index_cast %add3A_869 : i32 to index
        %swap3A_871 = tpu.vector_load %arg10[%swap3A_870] {strides = array<i32>} : memref<448xf32, #tpu.memory_space<vmem>>, vector<16xf32>,
        tpu.vector_store %arg10[%swap3A_870], %gather3A_638 {strides = array<i32>} : memref<448xf32, #tpu.memory_space<vmem>>, vector<16xf32>,
        %add3A_872 = arith.constant 32 : i32
        %add3A_873 = arith.addi %mul3A_865, %add3A_872 : i32
        %swap3A_874 = arith.index_cast %add3A_873 : i32 to index
        %swap3A_875 = tpu.vector_load %arg10[%swap3A_874] {strides = array<i32>} : memref<448xf32, #tpu.memory_space<vmem>>, vector<16xf32>,
        tpu.vector_store %arg10[%swap3A_874], %gather3A_643 {strides = array<i32>} : memref<448xf32, #tpu.memory_space<vmem>>, vector<16xf32>,
        %add3A_876 = arith.constant 48 : i32
        %add3A_877 = arith.addi %mul3A_865, %add3A_876 : i32
        %swap3A_878 = arith.index_cast %add3A_877 : i32 to index
        %swap3A_879 = tpu.vector_load %arg10[%swap3A_878] {strides = array<i32>} : memref<448xf32, #tpu.memory_space<vmem>>, vector<16xf32>,
        tpu.vector_store %arg10[%swap3A_878], %gather3A_648 {strides = array<i32>} : memref<448xf32, #tpu.memory_space<vmem>>, vector<16xf32>,
        %jit3A_880 = arith.constant 7 : i32
        %select_n3A_881 = arith.select %eq3A_861, %while3A_556, %jit3A_880 : i32
        %swap3A_882 = arith.index_cast %select_n3A_881 : i32 to index
        %swap3A_883 = memref.load %arg11[%swap3A_882] : memref<8xi32, #tpu.memory_space<smem>>
        memref.store %add3A_630, %arg11[%swap3A_882] : memref<8xi32, #tpu.memory_space<smem>>
        %convert_element_type3A = arith.extui %eq3A_861 : i1 to i32
        %add3A_884 = arith.addi %while3A_556, %convert_element_type3A : i32
        %add3A_885 = arith.constant 1 : i32
        %add3A_886 = arith.addi %while3A_555, %add3A_885 : i32
        scf.yield %add3A_886, %add3A_884, %select_n3A_604, %select_n3A_611, %select_n3A_618, %select_n3A_625 : i32, i32, vector<16xf32>, vector<16xf32>, vector<16xf32>, vector<16xf32>
      }
      %mul3A_207 = arith.constant 360 : i32
      %mul3A_208 = arith.muli %scan3A_61, %mul3A_207 : i32
      %get3A_209 = arith.constant 0 : i32
      %get3A_210 = arith.index_cast %get3A_209 : i32 to index
      %get3A_211 = memref.load %arg11[%get3A_210] : memref<8xi32, #tpu.memory_space<smem>>
      %gt3A_212 = arith.constant 0 : i32
      %gt3A_213 = arith.cmpi sgt, %while3A_206#1, %gt3A_212 : i32
      %add3A_214 = arith.constant 0 : i32
      %add3A_215 = arith.addi %get3A_211, %add3A_214 : i32
      %get3A_216 = arith.index_cast %add3A_215 : i32 to index
      %get3A_217 = tpu.vector_load %arg6[%get3A_216] {strides = array<i32>} : memref<24064xf32, #tpu.memory_space<vmem>>, vector<16xf32>,
      %jit3A_218 = arith.constant 0.000000e+00 : f32
      %broadcast_in_dim3A_219 = vector.broadcast %jit3A_218 : f32 to vector<16xf32>
      %select_n3A_220 = arith.select %gt3A_213, %get3A_217, %broadcast_in_dim3A_219 : vector<16xf32>
      %add3A_221 = arith.constant 0 : i32
      %add3A_222 = arith.addi %mul3A_208, %add3A_221 : i32
      %add3A_223 = arith.constant 0 : i32
      %add3A_224 = arith.addi %add3A_222, %add3A_223 : i32
      %swap3A_225 = arith.index_cast %add3A_224 : i32 to index
      %swap3A_226 = tpu.vector_load %arg8[%swap3A_225] {strides = array<i32>} : memref<2880xf32, #tpu.memory_space<vmem>>, vector<16xf32>,
      tpu.vector_store %arg8[%swap3A_225], %select_n3A_220 {strides = array<i32>} : memref<2880xf32, #tpu.memory_space<vmem>>, vector<16xf32>,
      %add3A_227 = arith.constant 16 : i32
      %add3A_228 = arith.addi %get3A_211, %add3A_227 : i32
      %get3A_229 = arith.index_cast %add3A_228 : i32 to index
      %get3A_230 = tpu.vector_load %arg6[%get3A_229] {strides = array<i32>} : memref<24064xf32, #tpu.memory_space<vmem>>, vector<16xf32>,
      %jit3A_231 = arith.constant 0.000000e+00 : f32
      %broadcast_in_dim3A_232 = vector.broadcast %jit3A_231 : f32 to vector<16xf32>
      %select_n3A_233 = arith.select %gt3A_213, %get3A_230, %broadcast_in_dim3A_232 : vector<16xf32>
      %add3A_234 = arith.constant 0 : i32
      %add3A_235 = arith.addi %mul3A_208, %add3A_234 : i32
      %add3A_236 = arith.constant 16 : i32
      %add3A_237 = arith.addi %add3A_235, %add3A_236 : i32
      %swap3A_238 = arith.index_cast %add3A_237 : i32 to index
      %swap3A_239 = tpu.vector_load %arg8[%swap3A_238] {strides = array<i32>} : memref<2880xf32, #tpu.memory_space<vmem>>, vector<16xf32>,
      tpu.vector_store %arg8[%swap3A_238], %select_n3A_233 {strides = array<i32>} : memref<2880xf32, #tpu.memory_space<vmem>>, vector<16xf32>,
      %add3A_240 = arith.constant 32 : i32
      %add3A_241 = arith.addi %get3A_211, %add3A_240 : i32
      %get3A_242 = arith.index_cast %add3A_241 : i32 to index
      %get3A_243 = tpu.vector_load %arg6[%get3A_242] {strides = array<i32>} : memref<24064xf32, #tpu.memory_space<vmem>>, vector<16xf32>,
      %jit3A_244 = arith.constant 0.000000e+00 : f32
      %broadcast_in_dim3A_245 = vector.broadcast %jit3A_244 : f32 to vector<16xf32>
      %select_n3A_246 = arith.select %gt3A_213, %get3A_243, %broadcast_in_dim3A_245 : vector<16xf32>
      %add3A_247 = arith.constant 0 : i32
      %add3A_248 = arith.addi %mul3A_208, %add3A_247 : i32
      %add3A_249 = arith.constant 32 : i32
      %add3A_250 = arith.addi %add3A_248, %add3A_249 : i32
      %swap3A_251 = arith.index_cast %add3A_250 : i32 to index
      %swap3A_252 = tpu.vector_load %arg8[%swap3A_251] {strides = array<i32>} : memref<2880xf32, #tpu.memory_space<vmem>>, vector<16xf32>,
      tpu.vector_store %arg8[%swap3A_251], %select_n3A_246 {strides = array<i32>} : memref<2880xf32, #tpu.memory_space<vmem>>, vector<16xf32>,
      %add3A_253 = arith.constant 44 : i32
      %add3A_254 = arith.addi %get3A_211, %add3A_253 : i32
      %get3A_255 = arith.index_cast %add3A_254 : i32 to index
      %get3A_256 = tpu.vector_load %arg6[%get3A_255] {strides = array<i32>} : memref<24064xf32, #tpu.memory_space<vmem>>, vector<16xf32>,
      %jit3A_257 = arith.constant 0.000000e+00 : f32
      %broadcast_in_dim3A_258 = vector.broadcast %jit3A_257 : f32 to vector<16xf32>
      %select_n3A_259 = arith.select %gt3A_213, %get3A_256, %broadcast_in_dim3A_258 : vector<16xf32>
      %add3A_260 = arith.constant 0 : i32
      %add3A_261 = arith.addi %mul3A_208, %add3A_260 : i32
      %add3A_262 = arith.constant 44 : i32
      %add3A_263 = arith.addi %add3A_261, %add3A_262 : i32
      %swap3A_264 = arith.index_cast %add3A_263 : i32 to index
      %swap3A_265 = tpu.vector_load %arg8[%swap3A_264] {strides = array<i32>} : memref<2880xf32, #tpu.memory_space<vmem>>, vector<16xf32>,
      tpu.vector_store %arg8[%swap3A_264], %select_n3A_259 {strides = array<i32>} : memref<2880xf32, #tpu.memory_space<vmem>>, vector<16xf32>,
      %get3A_266 = arith.constant 1 : i32
      %get3A_267 = arith.index_cast %get3A_266 : i32 to index
      %get3A_268 = memref.load %arg11[%get3A_267] : memref<8xi32, #tpu.memory_space<smem>>
      %gt3A_269 = arith.constant 1 : i32
      %gt3A_270 = arith.cmpi sgt, %while3A_206#1, %gt3A_269 : i32
      %add3A_271 = arith.constant 0 : i32
      %add3A_272 = arith.addi %get3A_268, %add3A_271 : i32
      %get3A_273 = arith.index_cast %add3A_272 : i32 to index
      %get3A_274 = tpu.vector_load %arg6[%get3A_273] {strides = array<i32>} : memref<24064xf32, #tpu.memory_space<vmem>>, vector<16xf32>,
      %jit3A_275 = arith.constant 0.000000e+00 : f32
      %broadcast_in_dim3A_276 = vector.broadcast %jit3A_275 : f32 to vector<16xf32>
      %select_n3A_277 = arith.select %gt3A_270, %get3A_274, %broadcast_in_dim3A_276 : vector<16xf32>
      %add3A_278 = arith.constant 60 : i32
      %add3A_279 = arith.addi %mul3A_208, %add3A_278 : i32
      %add3A_280 = arith.constant 0 : i32
      %add3A_281 = arith.addi %add3A_279, %add3A_280 : i32
      %swap3A_282 = arith.index_cast %add3A_281 : i32 to index
      %swap3A_283 = tpu.vector_load %arg8[%swap3A_282] {strides = array<i32>} : memref<2880xf32, #tpu.memory_space<vmem>>, vector<16xf32>,
      tpu.vector_store %arg8[%swap3A_282], %select_n3A_277 {strides = array<i32>} : memref<2880xf32, #tpu.memory_space<vmem>>, vector<16xf32>,
      %add3A_284 = arith.constant 16 : i32
      %add3A_285 = arith.addi %get3A_268, %add3A_284 : i32
      %get3A_286 = arith.index_cast %add3A_285 : i32 to index
      %get3A_287 = tpu.vector_load %arg6[%get3A_286] {strides = array<i32>} : memref<24064xf32, #tpu.memory_space<vmem>>, vector<16xf32>,
      %jit3A_288 = arith.constant 0.000000e+00 : f32
      %broadcast_in_dim3A_289 = vector.broadcast %jit3A_288 : f32 to vector<16xf32>
      %select_n3A_290 = arith.select %gt3A_270, %get3A_287, %broadcast_in_dim3A_289 : vector<16xf32>
      %add3A_291 = arith.constant 60 : i32
      %add3A_292 = arith.addi %mul3A_208, %add3A_291 : i32
      %add3A_293 = arith.constant 16 : i32
      %add3A_294 = arith.addi %add3A_292, %add3A_293 : i32
      %swap3A_295 = arith.index_cast %add3A_294 : i32 to index
      %swap3A_296 = tpu.vector_load %arg8[%swap3A_295] {strides = array<i32>} : memref<2880xf32, #tpu.memory_space<vmem>>, vector<16xf32>,
      tpu.vector_store %arg8[%swap3A_295], %select_n3A_290 {strides = array<i32>} : memref<2880xf32, #tpu.memory_space<vmem>>, vector<16xf32>,
      %add3A_297 = arith.constant 32 : i32
      %add3A_298 = arith.addi %get3A_268, %add3A_297 : i32
      %get3A_299 = arith.index_cast %add3A_298 : i32 to index
      %get3A_300 = tpu.vector_load %arg6[%get3A_299] {strides = array<i32>} : memref<24064xf32, #tpu.memory_space<vmem>>, vector<16xf32>,
      %jit3A_301 = arith.constant 0.000000e+00 : f32
      %broadcast_in_dim3A_302 = vector.broadcast %jit3A_301 : f32 to vector<16xf32>
      %select_n3A_303 = arith.select %gt3A_270, %get3A_300, %broadcast_in_dim3A_302 : vector<16xf32>
      %add3A_304 = arith.constant 60 : i32
      %add3A_305 = arith.addi %mul3A_208, %add3A_304 : i32
      %add3A_306 = arith.constant 32 : i32
      %add3A_307 = arith.addi %add3A_305, %add3A_306 : i32
      %swap3A_308 = arith.index_cast %add3A_307 : i32 to index
      %swap3A_309 = tpu.vector_load %arg8[%swap3A_308] {strides = array<i32>} : memref<2880xf32, #tpu.memory_space<vmem>>, vector<16xf32>,
      tpu.vector_store %arg8[%swap3A_308], %select_n3A_303 {strides = array<i32>} : memref<2880xf32, #tpu.memory_space<vmem>>, vector<16xf32>,
      %add3A_310 = arith.constant 44 : i32
      %add3A_311 = arith.addi %get3A_268, %add3A_310 : i32
      %get3A_312 = arith.index_cast %add3A_311 : i32 to index
      %get3A_313 = tpu.vector_load %arg6[%get3A_312] {strides = array<i32>} : memref<24064xf32, #tpu.memory_space<vmem>>, vector<16xf32>,
      %jit3A_314 = arith.constant 0.000000e+00 : f32
      %broadcast_in_dim3A_315 = vector.broadcast %jit3A_314 : f32 to vector<16xf32>
      %select_n3A_316 = arith.select %gt3A_270, %get3A_313, %broadcast_in_dim3A_315 : vector<16xf32>
      %add3A_317 = arith.constant 60 : i32
      %add3A_318 = arith.addi %mul3A_208, %add3A_317 : i32
      %add3A_319 = arith.constant 44 : i32
      %add3A_320 = arith.addi %add3A_318, %add3A_319 : i32
      %swap3A_321 = arith.index_cast %add3A_320 : i32 to index
      %swap3A_322 = tpu.vector_load %arg8[%swap3A_321] {strides = array<i32>} : memref<2880xf32, #tpu.memory_space<vmem>>, vector<16xf32>,
      tpu.vector_store %arg8[%swap3A_321], %select_n3A_316 {strides = array<i32>} : memref<2880xf32, #tpu.memory_space<vmem>>, vector<16xf32>,
      %get3A_323 = arith.constant 2 : i32
      %get3A_324 = arith.index_cast %get3A_323 : i32 to index
      %get3A_325 = memref.load %arg11[%get3A_324] : memref<8xi32, #tpu.memory_space<smem>>
      %gt3A_326 = arith.constant 2 : i32
      %gt3A_327 = arith.cmpi sgt, %while3A_206#1, %gt3A_326 : i32
      %add3A_328 = arith.constant 0 : i32
      %add3A_329 = arith.addi %get3A_325, %add3A_328 : i32
      %get3A_330 = arith.index_cast %add3A_329 : i32 to index
      %get3A_331 = tpu.vector_load %arg6[%get3A_330] {strides = array<i32>} : memref<24064xf32, #tpu.memory_space<vmem>>, vector<16xf32>,
      %jit3A_332 = arith.constant 0.000000e+00 : f32
      %broadcast_in_dim3A_333 = vector.broadcast %jit3A_332 : f32 to vector<16xf32>
      %select_n3A_334 = arith.select %gt3A_327, %get3A_331, %broadcast_in_dim3A_333 : vector<16xf32>
      %add3A_335 = arith.constant 120 : i32
      %add3A_336 = arith.addi %mul3A_208, %add3A_335 : i32
      %add3A_337 = arith.constant 0 : i32
      %add3A_338 = arith.addi %add3A_336, %add3A_337 : i32
      %swap3A_339 = arith.index_cast %add3A_338 : i32 to index
      %swap3A_340 = tpu.vector_load %arg8[%swap3A_339] {strides = array<i32>} : memref<2880xf32, #tpu.memory_space<vmem>>, vector<16xf32>,
      tpu.vector_store %arg8[%swap3A_339], %select_n3A_334 {strides = array<i32>} : memref<2880xf32, #tpu.memory_space<vmem>>, vector<16xf32>,
      %add3A_341 = arith.constant 16 : i32
      %add3A_342 = arith.addi %get3A_325, %add3A_341 : i32
      %get3A_343 = arith.index_cast %add3A_342 : i32 to index
      %get3A_344 = tpu.vector_load %arg6[%get3A_343] {strides = array<i32>} : memref<24064xf32, #tpu.memory_space<vmem>>, vector<16xf32>,
      %jit3A_345 = arith.constant 0.000000e+00 : f32
      %broadcast_in_dim3A_346 = vector.broadcast %jit3A_345 : f32 to vector<16xf32>
      %select_n3A_347 = arith.select %gt3A_327, %get3A_344, %broadcast_in_dim3A_346 : vector<16xf32>
      %add3A_348 = arith.constant 120 : i32
      %add3A_349 = arith.addi %mul3A_208, %add3A_348 : i32
      %add3A_350 = arith.constant 16 : i32
      %add3A_351 = arith.addi %add3A_349, %add3A_350 : i32
      %swap3A_352 = arith.index_cast %add3A_351 : i32 to index
      %swap3A_353 = tpu.vector_load %arg8[%swap3A_352] {strides = array<i32>} : memref<2880xf32, #tpu.memory_space<vmem>>, vector<16xf32>,
      tpu.vector_store %arg8[%swap3A_352], %select_n3A_347 {strides = array<i32>} : memref<2880xf32, #tpu.memory_space<vmem>>, vector<16xf32>,
      %add3A_354 = arith.constant 32 : i32
      %add3A_355 = arith.addi %get3A_325, %add3A_354 : i32
      %get3A_356 = arith.index_cast %add3A_355 : i32 to index
      %get3A_357 = tpu.vector_load %arg6[%get3A_356] {strides = array<i32>} : memref<24064xf32, #tpu.memory_space<vmem>>, vector<16xf32>,
      %jit3A_358 = arith.constant 0.000000e+00 : f32
      %broadcast_in_dim3A_359 = vector.broadcast %jit3A_358 : f32 to vector<16xf32>
      %select_n3A_360 = arith.select %gt3A_327, %get3A_357, %broadcast_in_dim3A_359 : vector<16xf32>
      %add3A_361 = arith.constant 120 : i32
      %add3A_362 = arith.addi %mul3A_208, %add3A_361 : i32
      %add3A_363 = arith.constant 32 : i32
      %add3A_364 = arith.addi %add3A_362, %add3A_363 : i32
      %swap3A_365 = arith.index_cast %add3A_364 : i32 to index
      %swap3A_366 = tpu.vector_load %arg8[%swap3A_365] {strides = array<i32>} : memref<2880xf32, #tpu.memory_space<vmem>>, vector<16xf32>,
      tpu.vector_store %arg8[%swap3A_365], %select_n3A_360 {strides = array<i32>} : memref<2880xf32, #tpu.memory_space<vmem>>, vector<16xf32>,
      %add3A_367 = arith.constant 44 : i32
      %add3A_368 = arith.addi %get3A_325, %add3A_367 : i32
      %get3A_369 = arith.index_cast %add3A_368 : i32 to index
      %get3A_370 = tpu.vector_load %arg6[%get3A_369] {strides = array<i32>} : memref<24064xf32, #tpu.memory_space<vmem>>, vector<16xf32>,
      %jit3A_371 = arith.constant 0.000000e+00 : f32
      %broadcast_in_dim3A_372 = vector.broadcast %jit3A_371 : f32 to vector<16xf32>
      %select_n3A_373 = arith.select %gt3A_327, %get3A_370, %broadcast_in_dim3A_372 : vector<16xf32>
      %add3A_374 = arith.constant 120 : i32
      %add3A_375 = arith.addi %mul3A_208, %add3A_374 : i32
      %add3A_376 = arith.constant 44 : i32
      %add3A_377 = arith.addi %add3A_375, %add3A_376 : i32
      %swap3A_378 = arith.index_cast %add3A_377 : i32 to index
      %swap3A_379 = tpu.vector_load %arg8[%swap3A_378] {strides = array<i32>} : memref<2880xf32, #tpu.memory_space<vmem>>, vector<16xf32>,
      tpu.vector_store %arg8[%swap3A_378], %select_n3A_373 {strides = array<i32>} : memref<2880xf32, #tpu.memory_space<vmem>>, vector<16xf32>,
      %get3A_380 = arith.constant 3 : i32
      %get3A_381 = arith.index_cast %get3A_380 : i32 to index
      %get3A_382 = memref.load %arg11[%get3A_381] : memref<8xi32, #tpu.memory_space<smem>>
      %gt3A_383 = arith.constant 3 : i32
      %gt3A_384 = arith.cmpi sgt, %while3A_206#1, %gt3A_383 : i32
      %add3A_385 = arith.constant 0 : i32
      %add3A_386 = arith.addi %get3A_382, %add3A_385 : i32
      %get3A_387 = arith.index_cast %add3A_386 : i32 to index
      %get3A_388 = tpu.vector_load %arg6[%get3A_387] {strides = array<i32>} : memref<24064xf32, #tpu.memory_space<vmem>>, vector<16xf32>,
      %jit3A_389 = arith.constant 0.000000e+00 : f32
      %broadcast_in_dim3A_390 = vector.broadcast %jit3A_389 : f32 to vector<16xf32>
      %select_n3A_391 = arith.select %gt3A_384, %get3A_388, %broadcast_in_dim3A_390 : vector<16xf32>
      %add3A_392 = arith.constant 180 : i32
      %add3A_393 = arith.addi %mul3A_208, %add3A_392 : i32
      %add3A_394 = arith.constant 0 : i32
      %add3A_395 = arith.addi %add3A_393, %add3A_394 : i32
      %swap3A_396 = arith.index_cast %add3A_395 : i32 to index
      %swap3A_397 = tpu.vector_load %arg8[%swap3A_396] {strides = array<i32>} : memref<2880xf32, #tpu.memory_space<vmem>>, vector<16xf32>,
      tpu.vector_store %arg8[%swap3A_396], %select_n3A_391 {strides = array<i32>} : memref<2880xf32, #tpu.memory_space<vmem>>, vector<16xf32>,
      %add3A_398 = arith.constant 16 : i32
      %add3A_399 = arith.addi %get3A_382, %add3A_398 : i32
      %get3A_400 = arith.index_cast %add3A_399 : i32 to index
      %get3A_401 = tpu.vector_load %arg6[%get3A_400] {strides = array<i32>} : memref<24064xf32, #tpu.memory_space<vmem>>, vector<16xf32>,
      %jit3A_402 = arith.constant 0.000000e+00 : f32
      %broadcast_in_dim3A_403 = vector.broadcast %jit3A_402 : f32 to vector<16xf32>
      %select_n3A_404 = arith.select %gt3A_384, %get3A_401, %broadcast_in_dim3A_403 : vector<16xf32>
      %add3A_405 = arith.constant 180 : i32
      %add3A_406 = arith.addi %mul3A_208, %add3A_405 : i32
      %add3A_407 = arith.constant 16 : i32
      %add3A_408 = arith.addi %add3A_406, %add3A_407 : i32
      %swap3A_409 = arith.index_cast %add3A_408 : i32 to index
      %swap3A_410 = tpu.vector_load %arg8[%swap3A_409] {strides = array<i32>} : memref<2880xf32, #tpu.memory_space<vmem>>, vector<16xf32>,
      tpu.vector_store %arg8[%swap3A_409], %select_n3A_404 {strides = array<i32>} : memref<2880xf32, #tpu.memory_space<vmem>>, vector<16xf32>,
      %add3A_411 = arith.constant 32 : i32
      %add3A_412 = arith.addi %get3A_382, %add3A_411 : i32
      %get3A_413 = arith.index_cast %add3A_412 : i32 to index
      %get3A_414 = tpu.vector_load %arg6[%get3A_413] {strides = array<i32>} : memref<24064xf32, #tpu.memory_space<vmem>>, vector<16xf32>,
      %jit3A_415 = arith.constant 0.000000e+00 : f32
      %broadcast_in_dim3A_416 = vector.broadcast %jit3A_415 : f32 to vector<16xf32>
      %select_n3A_417 = arith.select %gt3A_384, %get3A_414, %broadcast_in_dim3A_416 : vector<16xf32>
      %add3A_418 = arith.constant 180 : i32
      %add3A_419 = arith.addi %mul3A_208, %add3A_418 : i32
      %add3A_420 = arith.constant 32 : i32
      %add3A_421 = arith.addi %add3A_419, %add3A_420 : i32
      %swap3A_422 = arith.index_cast %add3A_421 : i32 to index
      %swap3A_423 = tpu.vector_load %arg8[%swap3A_422] {strides = array<i32>} : memref<2880xf32, #tpu.memory_space<vmem>>, vector<16xf32>,
      tpu.vector_store %arg8[%swap3A_422], %select_n3A_417 {strides = array<i32>} : memref<2880xf32, #tpu.memory_space<vmem>>, vector<16xf32>,
      %add3A_424 = arith.constant 44 : i32
      %add3A_425 = arith.addi %get3A_382, %add3A_424 : i32
      %get3A_426 = arith.index_cast %add3A_425 : i32 to index
      %get3A_427 = tpu.vector_load %arg6[%get3A_426] {strides = array<i32>} : memref<24064xf32, #tpu.memory_space<vmem>>, vector<16xf32>,
      %jit3A_428 = arith.constant 0.000000e+00 : f32
      %broadcast_in_dim3A_429 = vector.broadcast %jit3A_428 : f32 to vector<16xf32>
      %select_n3A_430 = arith.select %gt3A_384, %get3A_427, %broadcast_in_dim3A_429 : vector<16xf32>
      %add3A_431 = arith.constant 180 : i32
      %add3A_432 = arith.addi %mul3A_208, %add3A_431 : i32
      %add3A_433 = arith.constant 44 : i32
      %add3A_434 = arith.addi %add3A_432, %add3A_433 : i32
      %swap3A_435 = arith.index_cast %add3A_434 : i32 to index
      %swap3A_436 = tpu.vector_load %arg8[%swap3A_435] {strides = array<i32>} : memref<2880xf32, #tpu.memory_space<vmem>>, vector<16xf32>,
      tpu.vector_store %arg8[%swap3A_435], %select_n3A_430 {strides = array<i32>} : memref<2880xf32, #tpu.memory_space<vmem>>, vector<16xf32>,
      %get3A_437 = arith.constant 4 : i32
      %get3A_438 = arith.index_cast %get3A_437 : i32 to index
      %get3A_439 = memref.load %arg11[%get3A_438] : memref<8xi32, #tpu.memory_space<smem>>
      %gt3A_440 = arith.constant 4 : i32
      %gt3A_441 = arith.cmpi sgt, %while3A_206#1, %gt3A_440 : i32
      %add3A_442 = arith.constant 0 : i32
      %add3A_443 = arith.addi %get3A_439, %add3A_442 : i32
      %get3A_444 = arith.index_cast %add3A_443 : i32 to index
      %get3A_445 = tpu.vector_load %arg6[%get3A_444] {strides = array<i32>} : memref<24064xf32, #tpu.memory_space<vmem>>, vector<16xf32>,
      %jit3A_446 = arith.constant 0.000000e+00 : f32
      %broadcast_in_dim3A_447 = vector.broadcast %jit3A_446 : f32 to vector<16xf32>
      %select_n3A_448 = arith.select %gt3A_441, %get3A_445, %broadcast_in_dim3A_447 : vector<16xf32>
      %add3A_449 = arith.constant 240 : i32
      %add3A_450 = arith.addi %mul3A_208, %add3A_449 : i32
      %add3A_451 = arith.constant 0 : i32
      %add3A_452 = arith.addi %add3A_450, %add3A_451 : i32
      %swap3A_453 = arith.index_cast %add3A_452 : i32 to index
      %swap3A_454 = tpu.vector_load %arg8[%swap3A_453] {strides = array<i32>} : memref<2880xf32, #tpu.memory_space<vmem>>, vector<16xf32>,
      tpu.vector_store %arg8[%swap3A_453], %select_n3A_448 {strides = array<i32>} : memref<2880xf32, #tpu.memory_space<vmem>>, vector<16xf32>,
      %add3A_455 = arith.constant 16 : i32
      %add3A_456 = arith.addi %get3A_439, %add3A_455 : i32
      %get3A_457 = arith.index_cast %add3A_456 : i32 to index
      %get3A_458 = tpu.vector_load %arg6[%get3A_457] {strides = array<i32>} : memref<24064xf32, #tpu.memory_space<vmem>>, vector<16xf32>,
      %jit3A_459 = arith.constant 0.000000e+00 : f32
      %broadcast_in_dim3A_460 = vector.broadcast %jit3A_459 : f32 to vector<16xf32>
      %select_n3A_461 = arith.select %gt3A_441, %get3A_458, %broadcast_in_dim3A_460 : vector<16xf32>
      %add3A_462 = arith.constant 240 : i32
      %add3A_463 = arith.addi %mul3A_208, %add3A_462 : i32
      %add3A_464 = arith.constant 16 : i32
      %add3A_465 = arith.addi %add3A_463, %add3A_464 : i32
      %swap3A_466 = arith.index_cast %add3A_465 : i32 to index
      %swap3A_467 = tpu.vector_load %arg8[%swap3A_466] {strides = array<i32>} : memref<2880xf32, #tpu.memory_space<vmem>>, vector<16xf32>,
      tpu.vector_store %arg8[%swap3A_466], %select_n3A_461 {strides = array<i32>} : memref<2880xf32, #tpu.memory_space<vmem>>, vector<16xf32>,
      %add3A_468 = arith.constant 32 : i32
      %add3A_469 = arith.addi %get3A_439, %add3A_468 : i32
      %get3A_470 = arith.index_cast %add3A_469 : i32 to index
      %get3A_471 = tpu.vector_load %arg6[%get3A_470] {strides = array<i32>} : memref<24064xf32, #tpu.memory_space<vmem>>, vector<16xf32>,
      %jit3A_472 = arith.constant 0.000000e+00 : f32
      %broadcast_in_dim3A_473 = vector.broadcast %jit3A_472 : f32 to vector<16xf32>
      %select_n3A_474 = arith.select %gt3A_441, %get3A_471, %broadcast_in_dim3A_473 : vector<16xf32>
      %add3A_475 = arith.constant 240 : i32
      %add3A_476 = arith.addi %mul3A_208, %add3A_475 : i32
      %add3A_477 = arith.constant 32 : i32
      %add3A_478 = arith.addi %add3A_476, %add3A_477 : i32
      %swap3A_479 = arith.index_cast %add3A_478 : i32 to index
      %swap3A_480 = tpu.vector_load %arg8[%swap3A_479] {strides = array<i32>} : memref<2880xf32, #tpu.memory_space<vmem>>, vector<16xf32>,
      tpu.vector_store %arg8[%swap3A_479], %select_n3A_474 {strides = array<i32>} : memref<2880xf32, #tpu.memory_space<vmem>>, vector<16xf32>,
      %add3A_481 = arith.constant 44 : i32
      %add3A_482 = arith.addi %get3A_439, %add3A_481 : i32
      %get3A_483 = arith.index_cast %add3A_482 : i32 to index
      %get3A_484 = tpu.vector_load %arg6[%get3A_483] {strides = array<i32>} : memref<24064xf32, #tpu.memory_space<vmem>>, vector<16xf32>,
      %jit3A_485 = arith.constant 0.000000e+00 : f32
      %broadcast_in_dim3A_486 = vector.broadcast %jit3A_485 : f32 to vector<16xf32>
      %select_n3A_487 = arith.select %gt3A_441, %get3A_484, %broadcast_in_dim3A_486 : vector<16xf32>
      %add3A_488 = arith.constant 240 : i32
      %add3A_489 = arith.addi %mul3A_208, %add3A_488 : i32
      %add3A_490 = arith.constant 44 : i32
      %add3A_491 = arith.addi %add3A_489, %add3A_490 : i32
      %swap3A_492 = arith.index_cast %add3A_491 : i32 to index
      %swap3A_493 = tpu.vector_load %arg8[%swap3A_492] {strides = array<i32>} : memref<2880xf32, #tpu.memory_space<vmem>>, vector<16xf32>,
      tpu.vector_store %arg8[%swap3A_492], %select_n3A_487 {strides = array<i32>} : memref<2880xf32, #tpu.memory_space<vmem>>, vector<16xf32>,
      %get3A_494 = arith.constant 5 : i32
      %get3A_495 = arith.index_cast %get3A_494 : i32 to index
      %get3A_496 = memref.load %arg11[%get3A_495] : memref<8xi32, #tpu.memory_space<smem>>
      %gt3A_497 = arith.constant 5 : i32
      %gt3A_498 = arith.cmpi sgt, %while3A_206#1, %gt3A_497 : i32
      %add3A_499 = arith.constant 0 : i32
      %add3A_500 = arith.addi %get3A_496, %add3A_499 : i32
      %get3A_501 = arith.index_cast %add3A_500 : i32 to index
      %get3A_502 = tpu.vector_load %arg6[%get3A_501] {strides = array<i32>} : memref<24064xf32, #tpu.memory_space<vmem>>, vector<16xf32>,
      %jit3A_503 = arith.constant 0.000000e+00 : f32
      %broadcast_in_dim3A_504 = vector.broadcast %jit3A_503 : f32 to vector<16xf32>
      %select_n3A_505 = arith.select %gt3A_498, %get3A_502, %broadcast_in_dim3A_504 : vector<16xf32>
      %add3A_506 = arith.constant 300 : i32
      %add3A_507 = arith.addi %mul3A_208, %add3A_506 : i32
      %add3A_508 = arith.constant 0 : i32
      %add3A_509 = arith.addi %add3A_507, %add3A_508 : i32
      %swap3A_510 = arith.index_cast %add3A_509 : i32 to index
      %swap3A_511 = tpu.vector_load %arg8[%swap3A_510] {strides = array<i32>} : memref<2880xf32, #tpu.memory_space<vmem>>, vector<16xf32>,
      tpu.vector_store %arg8[%swap3A_510], %select_n3A_505 {strides = array<i32>} : memref<2880xf32, #tpu.memory_space<vmem>>, vector<16xf32>,
      %add3A_512 = arith.constant 16 : i32
      %add3A_513 = arith.addi %get3A_496, %add3A_512 : i32
      %get3A_514 = arith.index_cast %add3A_513 : i32 to index
      %get3A_515 = tpu.vector_load %arg6[%get3A_514] {strides = array<i32>} : memref<24064xf32, #tpu.memory_space<vmem>>, vector<16xf32>,
      %jit3A_516 = arith.constant 0.000000e+00 : f32
      %broadcast_in_dim3A_517 = vector.broadcast %jit3A_516 : f32 to vector<16xf32>
      %select_n3A_518 = arith.select %gt3A_498, %get3A_515, %broadcast_in_dim3A_517 : vector<16xf32>
      %add3A_519 = arith.constant 300 : i32
      %add3A_520 = arith.addi %mul3A_208, %add3A_519 : i32
      %add3A_521 = arith.constant 16 : i32
      %add3A_522 = arith.addi %add3A_520, %add3A_521 : i32
      %swap3A_523 = arith.index_cast %add3A_522 : i32 to index
      %swap3A_524 = tpu.vector_load %arg8[%swap3A_523] {strides = array<i32>} : memref<2880xf32, #tpu.memory_space<vmem>>, vector<16xf32>,
      tpu.vector_store %arg8[%swap3A_523], %select_n3A_518 {strides = array<i32>} : memref<2880xf32, #tpu.memory_space<vmem>>, vector<16xf32>,
      %add3A_525 = arith.constant 32 : i32
      %add3A_526 = arith.addi %get3A_496, %add3A_525 : i32
      %get3A_527 = arith.index_cast %add3A_526 : i32 to index
      %get3A_528 = tpu.vector_load %arg6[%get3A_527] {strides = array<i32>} : memref<24064xf32, #tpu.memory_space<vmem>>, vector<16xf32>,
      %jit3A_529 = arith.constant 0.000000e+00 : f32
      %broadcast_in_dim3A_530 = vector.broadcast %jit3A_529 : f32 to vector<16xf32>
      %select_n3A_531 = arith.select %gt3A_498, %get3A_528, %broadcast_in_dim3A_530 : vector<16xf32>
      %add3A_532 = arith.constant 300 : i32
      %add3A_533 = arith.addi %mul3A_208, %add3A_532 : i32
      %add3A_534 = arith.constant 32 : i32
      %add3A_535 = arith.addi %add3A_533, %add3A_534 : i32
      %swap3A_536 = arith.index_cast %add3A_535 : i32 to index
      %swap3A_537 = tpu.vector_load %arg8[%swap3A_536] {strides = array<i32>} : memref<2880xf32, #tpu.memory_space<vmem>>, vector<16xf32>,
      tpu.vector_store %arg8[%swap3A_536], %select_n3A_531 {strides = array<i32>} : memref<2880xf32, #tpu.memory_space<vmem>>, vector<16xf32>,
      %add3A_538 = arith.constant 44 : i32
      %add3A_539 = arith.addi %get3A_496, %add3A_538 : i32
      %get3A_540 = arith.index_cast %add3A_539 : i32 to index
      %get3A_541 = tpu.vector_load %arg6[%get3A_540] {strides = array<i32>} : memref<24064xf32, #tpu.memory_space<vmem>>, vector<16xf32>,
      %jit3A_542 = arith.constant 0.000000e+00 : f32
      %broadcast_in_dim3A_543 = vector.broadcast %jit3A_542 : f32 to vector<16xf32>
      %select_n3A_544 = arith.select %gt3A_498, %get3A_541, %broadcast_in_dim3A_543 : vector<16xf32>
      %add3A_545 = arith.constant 300 : i32
      %add3A_546 = arith.addi %mul3A_208, %add3A_545 : i32
      %add3A_547 = arith.constant 44 : i32
      %add3A_548 = arith.addi %add3A_546, %add3A_547 : i32
      %swap3A_549 = arith.index_cast %add3A_548 : i32 to index
      %swap3A_550 = tpu.vector_load %arg8[%swap3A_549] {strides = array<i32>} : memref<2880xf32, #tpu.memory_space<vmem>>, vector<16xf32>,
      tpu.vector_store %arg8[%swap3A_549], %select_n3A_544 {strides = array<i32>} : memref<2880xf32, #tpu.memory_space<vmem>>, vector<16xf32>,
      %eq3A_551 = vector.broadcast %scan3A_61 : i32 to vector<16xi32>
      %eq3A_552 = arith.cmpi eq, %iota3A, %eq3A_551 : vector<16xi32>
      %broadcast_in_dim3A_553 = vector.broadcast %while3A_206#1 : i32 to vector<16xi32>
      %select_n3A_554 = arith.select %eq3A_552, %broadcast_in_dim3A_553, %scan3A_62 : vector<16xi1>, vector<16xi32>
      scf.yield %select_n3A_554 : vector<16xi32>
    }
    %scan3A_37 = arith.constant 2 : i32
    %dma_wait3A_38 = arith.constant 6000 : i32
    %dma_wait3A_39 = tpu.memref_slice %arg6[%dma_wait3A_38] : memref<24064xf32, #tpu.memory_space<vmem>> -> memref<18000xf32, #tpu.memory_space<vmem>>
    %dma_wait3A_40 = tpu.memref_slice %arg2[%add3A_11] : memref<768000xf32, #tpu.memory_space<hbm>> -> memref<18000xf32, #tpu.memory_space<hbm>>
    %dma_wait3A_41 = arith.constant 6000 : i32
    %dma_wait3A_42 = tpu.memref_slice %arg6[%dma_wait3A_41] : memref<24064xf32, #tpu.memory_space<vmem>> -> memref<18000xf32, #tpu.memory_space<vmem>>
    %dma_wait3A_43 = tpu.memref_slice %arg2[%add3A_11] : memref<768000xf32, #tpu.memory_space<hbm>> -> memref<18000xf32, #tpu.memory_space<hbm>>
    tpu.wait_dma2 semaphore(%arg13 : memref<!tpu.dma_semaphore, #tpu.memory_space<semaphore_mem>>) src(%dma_wait3A_43 : memref<18000xf32, #tpu.memory_space<hbm>>) dst(%dma_wait3A_42 : memref<18000xf32, #tpu.memory_space<vmem>>)
    %scan3A_44 = arith.constant 0 : i32
    %scan3A_45 = arith.constant 32 : i32
    %scan3A_46 = arith.constant 2 : i32
    %scan3A_47 = arith.constant 6 : i32
    %scan3A_48 = arith.addi %scan3A_46, %scan3A_47 : i32
    %scan3A_49 = arith.constant 1 : i32
    %scan3A_50 = scf.for %scan3A_61 = %scan3A_46 to %scan3A_48 step %scan3A_49 iter_args(%scan3A_62 = %scan3A_36) -> (vector<16xi32>)  : i32 {
      %mul3A_63 = arith.constant 50 : i32
      %mul3A_64 = arith.muli %scan3A_61, %mul3A_63 : i32
      %get3A = arith.index_cast %mul3A_64 : i32 to index
      %get3A_65 = tpu.vector_load %arg7[%get3A] {strides = array<i32>} : memref<416xf32, #tpu.memory_space<vmem>>, vector<16xf32>,
      %add3A_66 = arith.constant 16 : i32
      %add3A_67 = arith.addi %mul3A_64, %add3A_66 : i32
      %get3A_68 = arith.index_cast %add3A_67 : i32 to index
      %get3A_69 = tpu.vector_load %arg7[%get3A_68] {strides = array<i32>} : memref<416xf32, #tpu.memory_space<vmem>>, vector<16xf32>,
      %add3A_70 = arith.constant 32 : i32
      %add3A_71 = arith.addi %mul3A_64, %add3A_70 : i32
      %get3A_72 = arith.index_cast %add3A_71 : i32 to index
      %get3A_73 = tpu.vector_load %arg7[%get3A_72] {strides = array<i32>} : memref<416xf32, #tpu.memory_space<vmem>>, vector<16xf32>,
      %add3A_74 = arith.constant 48 : i32
      %add3A_75 = arith.addi %mul3A_64, %add3A_74 : i32
      %get3A_76 = arith.index_cast %add3A_75 : i32 to index
      %get3A_77 = tpu.vector_load %arg7[%get3A_76] {strides = array<i32>} : memref<416xf32, #tpu.memory_space<vmem>>, vector<16xf32>,
      %lt3A = arith.constant 2 : i32
      %lt3A_78 = vector.broadcast %lt3A : i32 to vector<16xi32>
      %lt3A_79 = arith.cmpi slt, %iota3A, %lt3A_78 : vector<16xi32>
      %jit3A = arith.constant 0xFF800000 : f32
      %broadcast_in_dim3A_80 = vector.broadcast %jit3A : f32 to vector<16xf32>
      %select_n3A = arith.select %lt3A_79, %get3A_77, %broadcast_in_dim3A_80 : vector<16xi1>, vector<16xf32>
      %mul3A_81 = arith.constant 3000 : i32
      %mul3A_82 = arith.muli %scan3A_61, %mul3A_81 : i32
      %swap3A_83 = arith.constant 0 : i32
      %swap3A_84 = arith.constant 0 : i32
      %swap3A_85 = arith.index_cast %swap3A_84 : i32 to index
      %swap3A_86 = memref.load %arg11[%swap3A_85] : memref<8xi32, #tpu.memory_space<smem>>
      memref.store %swap3A_83, %arg11[%swap3A_85] : memref<8xi32, #tpu.memory_space<smem>>
      %swap3A_87 = arith.constant 0 : i32
      %swap3A_88 = arith.constant 1 : i32
      %swap3A_89 = arith.index_cast %swap3A_88 : i32 to index
      %swap3A_90 = memref.load %arg11[%swap3A_89] : memref<8xi32, #tpu.memory_space<smem>>
      memref.store %swap3A_87, %arg11[%swap3A_89] : memref<8xi32, #tpu.memory_space<smem>>
      %swap3A_91 = arith.constant 0 : i32
      %swap3A_92 = arith.constant 2 : i32
      %swap3A_93 = arith.index_cast %swap3A_92 : i32 to index
      %swap3A_94 = memref.load %arg11[%swap3A_93] : memref<8xi32, #tpu.memory_space<smem>>
      memref.store %swap3A_91, %arg11[%swap3A_93] : memref<8xi32, #tpu.memory_space<smem>>
      %swap3A_95 = arith.constant 0 : i32
      %swap3A_96 = arith.constant 3 : i32
      %swap3A_97 = arith.index_cast %swap3A_96 : i32 to index
      %swap3A_98 = memref.load %arg11[%swap3A_97] : memref<8xi32, #tpu.memory_space<smem>>
      memref.store %swap3A_95, %arg11[%swap3A_97] : memref<8xi32, #tpu.memory_space<smem>>
      %swap3A_99 = arith.constant 0 : i32
      %swap3A_100 = arith.constant 4 : i32
      %swap3A_101 = arith.index_cast %swap3A_100 : i32 to index
      %swap3A_102 = memref.load %arg11[%swap3A_101] : memref<8xi32, #tpu.memory_space<smem>>
      memref.store %swap3A_99, %arg11[%swap3A_101] : memref<8xi32, #tpu.memory_space<smem>>
      %swap3A_103 = arith.constant 0 : i32
      %swap3A_104 = arith.constant 5 : i32
      %swap3A_105 = arith.index_cast %swap3A_104 : i32 to index
      %swap3A_106 = memref.load %arg11[%swap3A_105] : memref<8xi32, #tpu.memory_space<smem>>
      memref.store %swap3A_103, %arg11[%swap3A_105] : memref<8xi32, #tpu.memory_space<smem>>
      %swap3A_107 = arith.constant 0 : i32
      %swap3A_108 = arith.constant 6 : i32
      %swap3A_109 = arith.index_cast %swap3A_108 : i32 to index
      %swap3A_110 = memref.load %arg11[%swap3A_109] : memref<8xi32, #tpu.memory_space<smem>>
      memref.store %swap3A_107, %arg11[%swap3A_109] : memref<8xi32, #tpu.memory_space<smem>>
      %swap3A_111 = arith.constant 0 : i32
      %swap3A_112 = arith.constant 7 : i32
      %swap3A_113 = arith.index_cast %swap3A_112 : i32 to index
      %swap3A_114 = memref.load %arg11[%swap3A_113] : memref<8xi32, #tpu.memory_space<smem>>
      memref.store %swap3A_111, %arg11[%swap3A_113] : memref<8xi32, #tpu.memory_space<smem>>
      %max3A = arith.maximumf %get3A_65, %get3A_69 : vector<16xf32>
      %max3A_115 = arith.maximumf %get3A_73, %select_n3A : vector<16xf32>
      %max3A_116 = arith.maximumf %max3A, %max3A_115 : vector<16xf32>
      %reduce_max3A = arith.constant true
      %reduce_max3A_117 = vector.broadcast %reduce_max3A : i1 to vector<16xi1>
      %reduce_max3A_118 = tpu.scan <max>, %max3A_116 masked %reduce_max3A_117 : vector<16xf32>, vector<16xi1> -> vector<16xf32>
      %reduce_max3A_119 = vector.extract %reduce_max3A_118[15] : f32 from vector<16xf32>
      %eq3A = vector.broadcast %reduce_max3A_119 : f32 to vector<16xf32>
      %eq3A_120 = arith.cmpf oeq, %get3A_65, %eq3A : vector<16xf32>
      %eq3A_121 = vector.broadcast %reduce_max3A_119 : f32 to vector<16xf32>
      %eq3A_122 = arith.cmpf oeq, %get3A_69, %eq3A_121 : vector<16xf32>
      %eq3A_123 = vector.broadcast %reduce_max3A_119 : f32 to vector<16xf32>
      %eq3A_124 = arith.cmpf oeq, %get3A_73, %eq3A_123 : vector<16xf32>
      %eq3A_125 = vector.broadcast %reduce_max3A_119 : f32 to vector<16xf32>
      %eq3A_126 = arith.cmpf oeq, %select_n3A, %eq3A_125 : vector<16xf32>
      %all_reduce_ffs3A = tpu.all_reduce %eq3A_120 {dim = 0 : i64, kind = #tpu.reduction_kind<find_first_set>} : vector<16xi1> -> vector<16xi32>
      %all_reduce_ffs3A_127 = tpu.all_reduce %eq3A_122 {dim = 0 : i64, kind = #tpu.reduction_kind<find_first_set>} : vector<16xi1> -> vector<16xi32>
      %all_reduce_ffs3A_128 = tpu.all_reduce %eq3A_124 {dim = 0 : i64, kind = #tpu.reduction_kind<find_first_set>} : vector<16xi1> -> vector<16xi32>
      %all_reduce_ffs3A_129 = tpu.all_reduce %eq3A_126 {dim = 0 : i64, kind = #tpu.reduction_kind<find_first_set>} : vector<16xi1> -> vector<16xi32>
      %all_reduce_population_count3A = tpu.all_reduce %eq3A_120 {dim = 0 : i64, kind = #tpu.reduction_kind<sum>} : vector<16xi1> -> vector<16xi32>
      %all_reduce_population_count3A_130 = tpu.all_reduce %eq3A_122 {dim = 0 : i64, kind = #tpu.reduction_kind<sum>} : vector<16xi1> -> vector<16xi32>
      %all_reduce_population_count3A_131 = tpu.all_reduce %eq3A_124 {dim = 0 : i64, kind = #tpu.reduction_kind<sum>} : vector<16xi1> -> vector<16xi32>
      %gt3A = vector.broadcast %scan3A_44 : i32 to vector<16xi32>
      %gt3A_132 = arith.cmpi sgt, %all_reduce_population_count3A, %gt3A : vector<16xi32>
      %gt3A_133 = vector.broadcast %scan3A_44 : i32 to vector<16xi32>
      %gt3A_134 = arith.cmpi sgt, %all_reduce_population_count3A_130, %gt3A_133 : vector<16xi32>
      %add3A_135 = arith.constant 16 : i32
      %add3A_136 = vector.broadcast %add3A_135 : i32 to vector<16xi32>
      %add3A_137 = arith.addi %all_reduce_ffs3A_127, %add3A_136 : vector<16xi32>
      %gt3A_138 = vector.broadcast %scan3A_44 : i32 to vector<16xi32>
      %gt3A_139 = arith.cmpi sgt, %all_reduce_population_count3A_131, %gt3A_138 : vector<16xi32>
      %add3A_140 = arith.constant 32 : i32
      %add3A_141 = vector.broadcast %add3A_140 : i32 to vector<16xi32>
      %add3A_142 = arith.addi %all_reduce_ffs3A_128, %add3A_141 : vector<16xi32>
      %add3A_143 = arith.constant 48 : i32
      %add3A_144 = vector.broadcast %add3A_143 : i32 to vector<16xi32>
      %add3A_145 = arith.addi %all_reduce_ffs3A_129, %add3A_144 : vector<16xi32>
      %select_n3A_146 = arith.select %gt3A_139, %add3A_142, %add3A_145 : vector<16xi1>, vector<16xi32>
      %select_n3A_147 = arith.select %gt3A_134, %add3A_137, %select_n3A_146 : vector<16xi1>, vector<16xi32>
      %select_n3A_148 = arith.select %gt3A_132, %all_reduce_ffs3A, %select_n3A_147 : vector<16xi1>, vector<16xi32>
      %eq3A_149 = arith.cmpi eq, %iota3A, %select_n3A_148 : vector<16xi32>
      %jit3A_150 = arith.constant 0xFF800000 : f32
      %broadcast_in_dim3A_151 = vector.broadcast %jit3A_150 : f32 to vector<16xf32>
      %select_n3A_152 = arith.select %eq3A_149, %broadcast_in_dim3A_151, %get3A_65 : vector<16xi1>, vector<16xf32>
      %add3A_153 = arith.constant 16 : i32
      %add3A_154 = vector.broadcast %add3A_153 : i32 to vector<16xi32>
      %add3A_155 = arith.addi %iota3A, %add3A_154 : vector<16xi32>
      %eq3A_156 = arith.cmpi eq, %add3A_155, %select_n3A_148 : vector<16xi32>
      %jit3A_157 = arith.constant 0xFF800000 : f32
      %broadcast_in_dim3A_158 = vector.broadcast %jit3A_157 : f32 to vector<16xf32>
      %select_n3A_159 = arith.select %eq3A_156, %broadcast_in_dim3A_158, %get3A_69 : vector<16xi1>, vector<16xf32>
      %add3A_160 = arith.constant 32 : i32
      %add3A_161 = vector.broadcast %add3A_160 : i32 to vector<16xi32>
      %add3A_162 = arith.addi %iota3A, %add3A_161 : vector<16xi32>
      %eq3A_163 = arith.cmpi eq, %add3A_162, %select_n3A_148 : vector<16xi32>
      %jit3A_164 = arith.constant 0xFF800000 : f32
      %broadcast_in_dim3A_165 = vector.broadcast %jit3A_164 : f32 to vector<16xf32>
      %select_n3A_166 = arith.select %eq3A_163, %broadcast_in_dim3A_165, %get3A_73 : vector<16xi1>, vector<16xf32>
      %add3A_167 = arith.constant 48 : i32
      %add3A_168 = vector.broadcast %add3A_167 : i32 to vector<16xi32>
      %add3A_169 = arith.addi %iota3A, %add3A_168 : vector<16xi32>
      %eq3A_170 = arith.cmpi eq, %add3A_169, %select_n3A_148 : vector<16xi32>
      %jit3A_171 = arith.constant 0xFF800000 : f32
      %broadcast_in_dim3A_172 = vector.broadcast %jit3A_171 : f32 to vector<16xf32>
      %select_n3A_173 = arith.select %eq3A_170, %broadcast_in_dim3A_172, %select_n3A : vector<16xi1>, vector<16xf32>
      %slice3A = vector.extract_strided_slice %select_n3A_148 {offsets = [0], sizes = [1], strides = [1]} : vector<16xi32> to vector<1xi32>
      %squeeze3A = vector.extract %slice3A[0] : i32 from vector<1xi32>
      %mul3A_174 = arith.constant 60 : i32
      %mul3A_175 = arith.muli %squeeze3A, %mul3A_174 : i32
      %add3A_176 = arith.addi %mul3A_82, %mul3A_175 : i32
      %swap3A_177 = arith.constant 0 : i32
      %swap3A_178 = arith.index_cast %swap3A_177 : i32 to index
      %swap3A_179 = memref.load %arg11[%swap3A_178] : memref<8xi32, #tpu.memory_space<smem>>
      memref.store %add3A_176, %arg11[%swap3A_178] : memref<8xi32, #tpu.memory_space<smem>>
      %add3A_180 = vector.broadcast %add3A_176 : i32 to vector<16xi32>
      %add3A_181 = arith.addi %add3A_180, %mul3A_27 : vector<16xi32>
      %gather3A = tpu.vector_load_idx %arg6[%add3A_181] : memref<24064xf32, #tpu.memory_space<vmem>>[vector<16xi32>], vector<16xf32>,
      %add3A_182 = arith.constant 32 : i32
      %add3A_183 = arith.addi %add3A_176, %add3A_182 : i32
      %add3A_184 = vector.broadcast %add3A_183 : i32 to vector<16xi32>
      %add3A_185 = arith.addi %add3A_184, %mul3A_27 : vector<16xi32>
      %gather3A_186 = tpu.vector_load_idx %arg6[%add3A_185] : memref<24064xf32, #tpu.memory_space<vmem>>[vector<16xi32>], vector<16xf32>,
      %add3A_187 = arith.constant 1 : i32
      %add3A_188 = arith.addi %add3A_176, %add3A_187 : i32
      %add3A_189 = vector.broadcast %add3A_188 : i32 to vector<16xi32>
      %add3A_190 = arith.addi %add3A_189, %mul3A_27 : vector<16xi32>
      %gather3A_191 = tpu.vector_load_idx %arg6[%add3A_190] : memref<24064xf32, #tpu.memory_space<vmem>>[vector<16xi32>], vector<16xf32>,
      %add3A_192 = arith.constant 33 : i32
      %add3A_193 = arith.addi %add3A_176, %add3A_192 : i32
      %add3A_194 = vector.broadcast %add3A_193 : i32 to vector<16xi32>
      %add3A_195 = arith.addi %add3A_194, %mul3A_27 : vector<16xi32>
      %gather3A_196 = tpu.vector_load_idx %arg6[%add3A_195] : memref<24064xf32, #tpu.memory_space<vmem>>[vector<16xi32>], vector<16xf32>,
      %swap3A_197 = arith.constant 0 : index
      %swap3A_198 = tpu.vector_load %arg10[%swap3A_197] {strides = array<i32>} : memref<448xf32, #tpu.memory_space<vmem>>, vector<16xf32>,
      tpu.vector_store %arg10[%swap3A_197], %gather3A {strides = array<i32>} : memref<448xf32, #tpu.memory_space<vmem>>, vector<16xf32>,
      %swap3A_199 = arith.constant 16 : index
      %swap3A_200 = tpu.vector_load %arg10[%swap3A_199] {strides = array<i32>} : memref<448xf32, #tpu.memory_space<vmem>>, vector<16xf32>,
      tpu.vector_store %arg10[%swap3A_199], %gather3A_186 {strides = array<i32>} : memref<448xf32, #tpu.memory_space<vmem>>, vector<16xf32>,
      %swap3A_201 = arith.constant 32 : index
      %swap3A_202 = tpu.vector_load %arg10[%swap3A_201] {strides = array<i32>} : memref<448xf32, #tpu.memory_space<vmem>>, vector<16xf32>,
      tpu.vector_store %arg10[%swap3A_201], %gather3A_191 {strides = array<i32>} : memref<448xf32, #tpu.memory_space<vmem>>, vector<16xf32>,
      %swap3A_203 = arith.constant 48 : index
      %swap3A_204 = tpu.vector_load %arg10[%swap3A_203] {strides = array<i32>} : memref<448xf32, #tpu.memory_space<vmem>>, vector<16xf32>,
      tpu.vector_store %arg10[%swap3A_203], %gather3A_196 {strides = array<i32>} : memref<448xf32, #tpu.memory_space<vmem>>, vector<16xf32>,
      %while3A = arith.constant 1 : i32
      %while3A_205 = arith.constant 1 : i32
      %while3A_206:6 = scf.while (%while3A_555 = %while3A, %while3A_556 = %while3A_205, %while3A_557 = %select_n3A_152, %while3A_558 = %select_n3A_159, %while3A_559 = %select_n3A_166, %while3A_560 = %select_n3A_173) : (i32, i32, vector<16xf32>, vector<16xf32>, vector<16xf32>, vector<16xf32>) -> (i32, i32, vector<16xf32>, vector<16xf32>, vector<16xf32>, vector<16xf32>) {
        %lt3A_561 = arith.constant 50 : i32
        %lt3A_562 = arith.cmpi slt, %while3A_555, %lt3A_561 : i32
        %lt3A_563 = arith.constant 6 : i32
        %lt3A_564 = arith.cmpi slt, %while3A_556, %lt3A_563 : i32
        %and3A = arith.andi %lt3A_562, %lt3A_564 : i1
        scf.condition(%and3A) %while3A_555, %while3A_556, %while3A_557, %while3A_558, %while3A_559, %while3A_560 : i32, i32, vector<16xf32>, vector<16xf32>, vector<16xf32>, vector<16xf32>
      } do {
      ^bb0(%while3A_555: i32, %while3A_556: i32, %while3A_557: vector<16xf32>, %while3A_558: vector<16xf32>, %while3A_559: vector<16xf32>, %while3A_560: vector<16xf32>):
        %max3A_561 = arith.maximumf %while3A_557, %while3A_558 : vector<16xf32>
        %max3A_562 = arith.maximumf %while3A_559, %while3A_560 : vector<16xf32>
        %max3A_563 = arith.maximumf %max3A_561, %max3A_562 : vector<16xf32>
        %reduce_max3A_564 = arith.constant true
        %reduce_max3A_565 = vector.broadcast %reduce_max3A_564 : i1 to vector<16xi1>
        %reduce_max3A_566 = tpu.scan <max>, %max3A_563 masked %reduce_max3A_565 : vector<16xf32>, vector<16xi1> -> vector<16xf32>
        %reduce_max3A_567 = vector.extract %reduce_max3A_566[15] : f32 from vector<16xf32>
        %eq3A_568 = vector.broadcast %reduce_max3A_567 : f32 to vector<16xf32>
        %eq3A_569 = arith.cmpf oeq, %while3A_557, %eq3A_568 : vector<16xf32>
        %eq3A_570 = vector.broadcast %reduce_max3A_567 : f32 to vector<16xf32>
        %eq3A_571 = arith.cmpf oeq, %while3A_558, %eq3A_570 : vector<16xf32>
        %eq3A_572 = vector.broadcast %reduce_max3A_567 : f32 to vector<16xf32>
        %eq3A_573 = arith.cmpf oeq, %while3A_559, %eq3A_572 : vector<16xf32>
        %eq3A_574 = vector.broadcast %reduce_max3A_567 : f32 to vector<16xf32>
        %eq3A_575 = arith.cmpf oeq, %while3A_560, %eq3A_574 : vector<16xf32>
        %all_reduce_ffs3A_576 = tpu.all_reduce %eq3A_569 {dim = 0 : i64, kind = #tpu.reduction_kind<find_first_set>} : vector<16xi1> -> vector<16xi32>
        %all_reduce_ffs3A_577 = tpu.all_reduce %eq3A_571 {dim = 0 : i64, kind = #tpu.reduction_kind<find_first_set>} : vector<16xi1> -> vector<16xi32>
        %all_reduce_ffs3A_578 = tpu.all_reduce %eq3A_573 {dim = 0 : i64, kind = #tpu.reduction_kind<find_first_set>} : vector<16xi1> -> vector<16xi32>
        %all_reduce_ffs3A_579 = tpu.all_reduce %eq3A_575 {dim = 0 : i64, kind = #tpu.reduction_kind<find_first_set>} : vector<16xi1> -> vector<16xi32>
        %all_reduce_population_count3A_580 = tpu.all_reduce %eq3A_569 {dim = 0 : i64, kind = #tpu.reduction_kind<sum>} : vector<16xi1> -> vector<16xi32>
        %all_reduce_population_count3A_581 = tpu.all_reduce %eq3A_571 {dim = 0 : i64, kind = #tpu.reduction_kind<sum>} : vector<16xi1> -> vector<16xi32>
        %all_reduce_population_count3A_582 = tpu.all_reduce %eq3A_573 {dim = 0 : i64, kind = #tpu.reduction_kind<sum>} : vector<16xi1> -> vector<16xi32>
        %gt3A_583 = vector.broadcast %scan3A_44 : i32 to vector<16xi32>
        %gt3A_584 = arith.cmpi sgt, %all_reduce_population_count3A_580, %gt3A_583 : vector<16xi32>
        %gt3A_585 = vector.broadcast %scan3A_44 : i32 to vector<16xi32>
        %gt3A_586 = arith.cmpi sgt, %all_reduce_population_count3A_581, %gt3A_585 : vector<16xi32>
        %add3A_587 = arith.constant 16 : i32
        %add3A_588 = vector.broadcast %add3A_587 : i32 to vector<16xi32>
        %add3A_589 = arith.addi %all_reduce_ffs3A_577, %add3A_588 : vector<16xi32>
        %gt3A_590 = vector.broadcast %scan3A_44 : i32 to vector<16xi32>
        %gt3A_591 = arith.cmpi sgt, %all_reduce_population_count3A_582, %gt3A_590 : vector<16xi32>
        %add3A_592 = arith.constant 32 : i32
        %add3A_593 = vector.broadcast %add3A_592 : i32 to vector<16xi32>
        %add3A_594 = arith.addi %all_reduce_ffs3A_578, %add3A_593 : vector<16xi32>
        %add3A_595 = arith.constant 48 : i32
        %add3A_596 = vector.broadcast %add3A_595 : i32 to vector<16xi32>
        %add3A_597 = arith.addi %all_reduce_ffs3A_579, %add3A_596 : vector<16xi32>
        %select_n3A_598 = arith.select %gt3A_591, %add3A_594, %add3A_597 : vector<16xi1>, vector<16xi32>
        %select_n3A_599 = arith.select %gt3A_586, %add3A_589, %select_n3A_598 : vector<16xi1>, vector<16xi32>
        %select_n3A_600 = arith.select %gt3A_584, %all_reduce_ffs3A_576, %select_n3A_599 : vector<16xi1>, vector<16xi32>
        %eq3A_601 = arith.cmpi eq, %iota3A, %select_n3A_600 : vector<16xi32>
        %jit3A_602 = arith.constant 0xFF800000 : f32
        %broadcast_in_dim3A_603 = vector.broadcast %jit3A_602 : f32 to vector<16xf32>
        %select_n3A_604 = arith.select %eq3A_601, %broadcast_in_dim3A_603, %while3A_557 : vector<16xi1>, vector<16xf32>
        %add3A_605 = arith.constant 16 : i32
        %add3A_606 = vector.broadcast %add3A_605 : i32 to vector<16xi32>
        %add3A_607 = arith.addi %iota3A, %add3A_606 : vector<16xi32>
        %eq3A_608 = arith.cmpi eq, %add3A_607, %select_n3A_600 : vector<16xi32>
        %jit3A_609 = arith.constant 0xFF800000 : f32
        %broadcast_in_dim3A_610 = vector.broadcast %jit3A_609 : f32 to vector<16xf32>
        %select_n3A_611 = arith.select %eq3A_608, %broadcast_in_dim3A_610, %while3A_558 : vector<16xi1>, vector<16xf32>
        %add3A_612 = arith.constant 32 : i32
        %add3A_613 = vector.broadcast %add3A_612 : i32 to vector<16xi32>
        %add3A_614 = arith.addi %iota3A, %add3A_613 : vector<16xi32>
        %eq3A_615 = arith.cmpi eq, %add3A_614, %select_n3A_600 : vector<16xi32>
        %jit3A_616 = arith.constant 0xFF800000 : f32
        %broadcast_in_dim3A_617 = vector.broadcast %jit3A_616 : f32 to vector<16xf32>
        %select_n3A_618 = arith.select %eq3A_615, %broadcast_in_dim3A_617, %while3A_559 : vector<16xi1>, vector<16xf32>
        %add3A_619 = arith.constant 48 : i32
        %add3A_620 = vector.broadcast %add3A_619 : i32 to vector<16xi32>
        %add3A_621 = arith.addi %iota3A, %add3A_620 : vector<16xi32>
        %eq3A_622 = arith.cmpi eq, %add3A_621, %select_n3A_600 : vector<16xi32>
        %jit3A_623 = arith.constant 0xFF800000 : f32
        %broadcast_in_dim3A_624 = vector.broadcast %jit3A_623 : f32 to vector<16xf32>
        %select_n3A_625 = arith.select %eq3A_622, %broadcast_in_dim3A_624, %while3A_560 : vector<16xi1>, vector<16xf32>
        %slice3A_626 = vector.extract_strided_slice %select_n3A_600 {offsets = [0], sizes = [1], strides = [1]} : vector<16xi32> to vector<1xi32>
        %squeeze3A_627 = vector.extract %slice3A_626[0] : i32 from vector<1xi32>
        %mul3A_628 = arith.constant 60 : i32
        %mul3A_629 = arith.muli %squeeze3A_627, %mul3A_628 : i32
        %add3A_630 = arith.addi %mul3A_82, %mul3A_629 : i32
        %add3A_631 = vector.broadcast %add3A_630 : i32 to vector<16xi32>
        %add3A_632 = arith.addi %add3A_631, %mul3A_27 : vector<16xi32>
        %gather3A_633 = tpu.vector_load_idx %arg6[%add3A_632] : memref<24064xf32, #tpu.memory_space<vmem>>[vector<16xi32>], vector<16xf32>,
        %add3A_634 = arith.constant 32 : i32
        %add3A_635 = arith.addi %add3A_630, %add3A_634 : i32
        %add3A_636 = vector.broadcast %add3A_635 : i32 to vector<16xi32>
        %add3A_637 = arith.addi %add3A_636, %mul3A_27 : vector<16xi32>
        %gather3A_638 = tpu.vector_load_idx %arg6[%add3A_637] : memref<24064xf32, #tpu.memory_space<vmem>>[vector<16xi32>], vector<16xf32>,
        %add3A_639 = arith.constant 1 : i32
        %add3A_640 = arith.addi %add3A_630, %add3A_639 : i32
        %add3A_641 = vector.broadcast %add3A_640 : i32 to vector<16xi32>
        %add3A_642 = arith.addi %add3A_641, %mul3A_27 : vector<16xi32>
        %gather3A_643 = tpu.vector_load_idx %arg6[%add3A_642] : memref<24064xf32, #tpu.memory_space<vmem>>[vector<16xi32>], vector<16xf32>,
        %add3A_644 = arith.constant 33 : i32
        %add3A_645 = arith.addi %add3A_630, %add3A_644 : i32
        %add3A_646 = vector.broadcast %add3A_645 : i32 to vector<16xi32>
        %add3A_647 = arith.addi %add3A_646, %mul3A_27 : vector<16xi32>
        %gather3A_648 = tpu.vector_load_idx %arg6[%add3A_647] : memref<24064xf32, #tpu.memory_space<vmem>>[vector<16xi32>], vector<16xf32>,
        %broadcast_in_dim3A_649 = arith.constant false
        %broadcast_in_dim3A_650 = vector.broadcast %broadcast_in_dim3A_649 : i1 to vector<16xi1>
        %get3A_651 = arith.constant 0 : index
        %get3A_652 = tpu.vector_load %arg10[%get3A_651] {strides = array<i32>} : memref<448xf32, #tpu.memory_space<vmem>>, vector<16xf32>,
        %get3A_653 = arith.constant 16 : index
        %get3A_654 = tpu.vector_load %arg10[%get3A_653] {strides = array<i32>} : memref<448xf32, #tpu.memory_space<vmem>>, vector<16xf32>,
        %get3A_655 = arith.constant 32 : index
        %get3A_656 = tpu.vector_load %arg10[%get3A_655] {strides = array<i32>} : memref<448xf32, #tpu.memory_space<vmem>>, vector<16xf32>,
        %get3A_657 = arith.constant 48 : index
        %get3A_658 = tpu.vector_load %arg10[%get3A_657] {strides = array<i32>} : memref<448xf32, #tpu.memory_space<vmem>>, vector<16xf32>,
        %sub3A = arith.subf %gather3A_633, %get3A_652 : vector<16xf32>
        %sub3A_659 = arith.subf %gather3A_643, %get3A_656 : vector<16xf32>
        %sub3A_660 = arith.subf %gather3A_638, %get3A_654 : vector<16xf32>
        %sub3A_661 = arith.subf %gather3A_648, %get3A_658 : vector<16xf32>
        %mul3A_662 = arith.mulf %sub3A, %sub3A : vector<16xf32>
        %mul3A_663 = arith.mulf %sub3A_659, %sub3A_659 : vector<16xf32>
        %add3A_664 = arith.addf %mul3A_662, %mul3A_663 : vector<16xf32>
        %mul3A_665 = arith.mulf %sub3A_660, %sub3A_660 : vector<16xf32>
        %mul3A_666 = arith.mulf %sub3A_661, %sub3A_661 : vector<16xf32>
        %add3A_667 = arith.addf %mul3A_665, %mul3A_666 : vector<16xf32>
        %lt3A_668 = arith.constant 2.000000e-01 : f32
        %lt3A_669 = vector.broadcast %lt3A_668 : f32 to vector<16xf32>
        %lt3A_670 = arith.cmpf olt, %add3A_664, %lt3A_669 : vector<16xf32>
        %lt3A_671 = arith.constant 2.000000e-01 : f32
        %lt3A_672 = vector.broadcast %lt3A_671 : f32 to vector<16xf32>
        %lt3A_673 = arith.cmpf olt, %add3A_667, %lt3A_672 : vector<16xf32>
        %or3A = arith.ori %lt3A_673, %ge3A_29 : vector<16xi1>
        %all_reduce_population_count3A_674 = tpu.all_reduce %lt3A_670 {dim = 0 : i64, kind = #tpu.reduction_kind<sum>} : vector<16xi1> -> vector<16xi32>
        %all_reduce_population_count3A_675 = tpu.all_reduce %or3A {dim = 0 : i64, kind = #tpu.reduction_kind<sum>} : vector<16xi1> -> vector<16xi32>
        %add3A_676 = arith.addi %all_reduce_population_count3A_674, %all_reduce_population_count3A_675 : vector<16xi32>
        %eq3A_677 = vector.broadcast %scan3A_45 : i32 to vector<16xi32>
        %eq3A_678 = arith.cmpi eq, %add3A_676, %eq3A_677 : vector<16xi32>
        %gt3A_679 = arith.constant 0 : i32
        %gt3A_680 = arith.cmpi sgt, %while3A_556, %gt3A_679 : i32
        %and3A = vector.broadcast %gt3A_680 : i1 to vector<16xi1>
        %and3A_681 = arith.andi %eq3A_678, %and3A : vector<16xi1>
        %or3A_682 = arith.ori %broadcast_in_dim3A_650, %and3A_681 : vector<16xi1>
        %get3A_683 = arith.constant 64 : index
        %get3A_684 = tpu.vector_load %arg10[%get3A_683] {strides = array<i32>} : memref<448xf32, #tpu.memory_space<vmem>>, vector<16xf32>,
        %get3A_685 = arith.constant 80 : index
        %get3A_686 = tpu.vector_load %arg10[%get3A_685] {strides = array<i32>} : memref<448xf32, #tpu.memory_space<vmem>>, vector<16xf32>,
        %get3A_687 = arith.constant 96 : index
        %get3A_688 = tpu.vector_load %arg10[%get3A_687] {strides = array<i32>} : memref<448xf32, #tpu.memory_space<vmem>>, vector<16xf32>,
        %get3A_689 = arith.constant 112 : index
        %get3A_690 = tpu.vector_load %arg10[%get3A_689] {strides = array<i32>} : memref<448xf32, #tpu.memory_space<vmem>>, vector<16xf32>,
        %sub3A_691 = arith.subf %gather3A_633, %get3A_684 : vector<16xf32>
        %sub3A_692 = arith.subf %gather3A_643, %get3A_688 : vector<16xf32>
        %sub3A_693 = arith.subf %gather3A_638, %get3A_686 : vector<16xf32>
        %sub3A_694 = arith.subf %gather3A_648, %get3A_690 : vector<16xf32>
        %mul3A_695 = arith.mulf %sub3A_691, %sub3A_691 : vector<16xf32>
        %mul3A_696 = arith.mulf %sub3A_692, %sub3A_692 : vector<16xf32>
        %add3A_697 = arith.addf %mul3A_695, %mul3A_696 : vector<16xf32>
        %mul3A_698 = arith.mulf %sub3A_693, %sub3A_693 : vector<16xf32>
        %mul3A_699 = arith.mulf %sub3A_694, %sub3A_694 : vector<16xf32>
        %add3A_700 = arith.addf %mul3A_698, %mul3A_699 : vector<16xf32>
        %lt3A_701 = arith.constant 2.000000e-01 : f32
        %lt3A_702 = vector.broadcast %lt3A_701 : f32 to vector<16xf32>
        %lt3A_703 = arith.cmpf olt, %add3A_697, %lt3A_702 : vector<16xf32>
        %lt3A_704 = arith.constant 2.000000e-01 : f32
        %lt3A_705 = vector.broadcast %lt3A_704 : f32 to vector<16xf32>
        %lt3A_706 = arith.cmpf olt, %add3A_700, %lt3A_705 : vector<16xf32>
        %or3A_707 = arith.ori %lt3A_706, %ge3A_29 : vector<16xi1>
        %all_reduce_population_count3A_708 = tpu.all_reduce %lt3A_703 {dim = 0 : i64, kind = #tpu.reduction_kind<sum>} : vector<16xi1> -> vector<16xi32>
        %all_reduce_population_count3A_709 = tpu.all_reduce %or3A_707 {dim = 0 : i64, kind = #tpu.reduction_kind<sum>} : vector<16xi1> -> vector<16xi32>
        %add3A_710 = arith.addi %all_reduce_population_count3A_708, %all_reduce_population_count3A_709 : vector<16xi32>
        %eq3A_711 = vector.broadcast %scan3A_45 : i32 to vector<16xi32>
        %eq3A_712 = arith.cmpi eq, %add3A_710, %eq3A_711 : vector<16xi32>
        %gt3A_713 = arith.constant 1 : i32
        %gt3A_714 = arith.cmpi sgt, %while3A_556, %gt3A_713 : i32
        %and3A_715 = vector.broadcast %gt3A_714 : i1 to vector<16xi1>
        %and3A_716 = arith.andi %eq3A_712, %and3A_715 : vector<16xi1>
        %or3A_717 = arith.ori %or3A_682, %and3A_716 : vector<16xi1>
        %get3A_718 = arith.constant 128 : index
        %get3A_719 = tpu.vector_load %arg10[%get3A_718] {strides = array<i32>} : memref<448xf32, #tpu.memory_space<vmem>>, vector<16xf32>,
        %get3A_720 = arith.constant 144 : index
        %get3A_721 = tpu.vector_load %arg10[%get3A_720] {strides = array<i32>} : memref<448xf32, #tpu.memory_space<vmem>>, vector<16xf32>,
        %get3A_722 = arith.constant 160 : index
        %get3A_723 = tpu.vector_load %arg10[%get3A_722] {strides = array<i32>} : memref<448xf32, #tpu.memory_space<vmem>>, vector<16xf32>,
        %get3A_724 = arith.constant 176 : index
        %get3A_725 = tpu.vector_load %arg10[%get3A_724] {strides = array<i32>} : memref<448xf32, #tpu.memory_space<vmem>>, vector<16xf32>,
        %sub3A_726 = arith.subf %gather3A_633, %get3A_719 : vector<16xf32>
        %sub3A_727 = arith.subf %gather3A_643, %get3A_723 : vector<16xf32>
        %sub3A_728 = arith.subf %gather3A_638, %get3A_721 : vector<16xf32>
        %sub3A_729 = arith.subf %gather3A_648, %get3A_725 : vector<16xf32>
        %mul3A_730 = arith.mulf %sub3A_726, %sub3A_726 : vector<16xf32>
        %mul3A_731 = arith.mulf %sub3A_727, %sub3A_727 : vector<16xf32>
        %add3A_732 = arith.addf %mul3A_730, %mul3A_731 : vector<16xf32>
        %mul3A_733 = arith.mulf %sub3A_728, %sub3A_728 : vector<16xf32>
        %mul3A_734 = arith.mulf %sub3A_729, %sub3A_729 : vector<16xf32>
        %add3A_735 = arith.addf %mul3A_733, %mul3A_734 : vector<16xf32>
        %lt3A_736 = arith.constant 2.000000e-01 : f32
        %lt3A_737 = vector.broadcast %lt3A_736 : f32 to vector<16xf32>
        %lt3A_738 = arith.cmpf olt, %add3A_732, %lt3A_737 : vector<16xf32>
        %lt3A_739 = arith.constant 2.000000e-01 : f32
        %lt3A_740 = vector.broadcast %lt3A_739 : f32 to vector<16xf32>
        %lt3A_741 = arith.cmpf olt, %add3A_735, %lt3A_740 : vector<16xf32>
        %or3A_742 = arith.ori %lt3A_741, %ge3A_29 : vector<16xi1>
        %all_reduce_population_count3A_743 = tpu.all_reduce %lt3A_738 {dim = 0 : i64, kind = #tpu.reduction_kind<sum>} : vector<16xi1> -> vector<16xi32>
        %all_reduce_population_count3A_744 = tpu.all_reduce %or3A_742 {dim = 0 : i64, kind = #tpu.reduction_kind<sum>} : vector<16xi1> -> vector<16xi32>
        %add3A_745 = arith.addi %all_reduce_population_count3A_743, %all_reduce_population_count3A_744 : vector<16xi32>
        %eq3A_746 = vector.broadcast %scan3A_45 : i32 to vector<16xi32>
        %eq3A_747 = arith.cmpi eq, %add3A_745, %eq3A_746 : vector<16xi32>
        %gt3A_748 = arith.constant 2 : i32
        %gt3A_749 = arith.cmpi sgt, %while3A_556, %gt3A_748 : i32
        %and3A_750 = vector.broadcast %gt3A_749 : i1 to vector<16xi1>
        %and3A_751 = arith.andi %eq3A_747, %and3A_750 : vector<16xi1>
        %or3A_752 = arith.ori %or3A_717, %and3A_751 : vector<16xi1>
        %get3A_753 = arith.constant 192 : index
        %get3A_754 = tpu.vector_load %arg10[%get3A_753] {strides = array<i32>} : memref<448xf32, #tpu.memory_space<vmem>>, vector<16xf32>,
        %get3A_755 = arith.constant 208 : index
        %get3A_756 = tpu.vector_load %arg10[%get3A_755] {strides = array<i32>} : memref<448xf32, #tpu.memory_space<vmem>>, vector<16xf32>,
        %get3A_757 = arith.constant 224 : index
        %get3A_758 = tpu.vector_load %arg10[%get3A_757] {strides = array<i32>} : memref<448xf32, #tpu.memory_space<vmem>>, vector<16xf32>,
        %get3A_759 = arith.constant 240 : index
        %get3A_760 = tpu.vector_load %arg10[%get3A_759] {strides = array<i32>} : memref<448xf32, #tpu.memory_space<vmem>>, vector<16xf32>,
        %sub3A_761 = arith.subf %gather3A_633, %get3A_754 : vector<16xf32>
        %sub3A_762 = arith.subf %gather3A_643, %get3A_758 : vector<16xf32>
        %sub3A_763 = arith.subf %gather3A_638, %get3A_756 : vector<16xf32>
        %sub3A_764 = arith.subf %gather3A_648, %get3A_760 : vector<16xf32>
        %mul3A_765 = arith.mulf %sub3A_761, %sub3A_761 : vector<16xf32>
        %mul3A_766 = arith.mulf %sub3A_762, %sub3A_762 : vector<16xf32>
        %add3A_767 = arith.addf %mul3A_765, %mul3A_766 : vector<16xf32>
        %mul3A_768 = arith.mulf %sub3A_763, %sub3A_763 : vector<16xf32>
        %mul3A_769 = arith.mulf %sub3A_764, %sub3A_764 : vector<16xf32>
        %add3A_770 = arith.addf %mul3A_768, %mul3A_769 : vector<16xf32>
        %lt3A_771 = arith.constant 2.000000e-01 : f32
        %lt3A_772 = vector.broadcast %lt3A_771 : f32 to vector<16xf32>
        %lt3A_773 = arith.cmpf olt, %add3A_767, %lt3A_772 : vector<16xf32>
        %lt3A_774 = arith.constant 2.000000e-01 : f32
        %lt3A_775 = vector.broadcast %lt3A_774 : f32 to vector<16xf32>
        %lt3A_776 = arith.cmpf olt, %add3A_770, %lt3A_775 : vector<16xf32>
        %or3A_777 = arith.ori %lt3A_776, %ge3A_29 : vector<16xi1>
        %all_reduce_population_count3A_778 = tpu.all_reduce %lt3A_773 {dim = 0 : i64, kind = #tpu.reduction_kind<sum>} : vector<16xi1> -> vector<16xi32>
        %all_reduce_population_count3A_779 = tpu.all_reduce %or3A_777 {dim = 0 : i64, kind = #tpu.reduction_kind<sum>} : vector<16xi1> -> vector<16xi32>
        %add3A_780 = arith.addi %all_reduce_population_count3A_778, %all_reduce_population_count3A_779 : vector<16xi32>
        %eq3A_781 = vector.broadcast %scan3A_45 : i32 to vector<16xi32>
        %eq3A_782 = arith.cmpi eq, %add3A_780, %eq3A_781 : vector<16xi32>
        %gt3A_783 = arith.constant 3 : i32
        %gt3A_784 = arith.cmpi sgt, %while3A_556, %gt3A_783 : i32
        %and3A_785 = vector.broadcast %gt3A_784 : i1 to vector<16xi1>
        %and3A_786 = arith.andi %eq3A_782, %and3A_785 : vector<16xi1>
        %or3A_787 = arith.ori %or3A_752, %and3A_786 : vector<16xi1>
        %get3A_788 = arith.constant 256 : index
        %get3A_789 = tpu.vector_load %arg10[%get3A_788] {strides = array<i32>} : memref<448xf32, #tpu.memory_space<vmem>>, vector<16xf32>,
        %get3A_790 = arith.constant 272 : index
        %get3A_791 = tpu.vector_load %arg10[%get3A_790] {strides = array<i32>} : memref<448xf32, #tpu.memory_space<vmem>>, vector<16xf32>,
        %get3A_792 = arith.constant 288 : index
        %get3A_793 = tpu.vector_load %arg10[%get3A_792] {strides = array<i32>} : memref<448xf32, #tpu.memory_space<vmem>>, vector<16xf32>,
        %get3A_794 = arith.constant 304 : index
        %get3A_795 = tpu.vector_load %arg10[%get3A_794] {strides = array<i32>} : memref<448xf32, #tpu.memory_space<vmem>>, vector<16xf32>,
        %sub3A_796 = arith.subf %gather3A_633, %get3A_789 : vector<16xf32>
        %sub3A_797 = arith.subf %gather3A_643, %get3A_793 : vector<16xf32>
        %sub3A_798 = arith.subf %gather3A_638, %get3A_791 : vector<16xf32>
        %sub3A_799 = arith.subf %gather3A_648, %get3A_795 : vector<16xf32>
        %mul3A_800 = arith.mulf %sub3A_796, %sub3A_796 : vector<16xf32>
        %mul3A_801 = arith.mulf %sub3A_797, %sub3A_797 : vector<16xf32>
        %add3A_802 = arith.addf %mul3A_800, %mul3A_801 : vector<16xf32>
        %mul3A_803 = arith.mulf %sub3A_798, %sub3A_798 : vector<16xf32>
        %mul3A_804 = arith.mulf %sub3A_799, %sub3A_799 : vector<16xf32>
        %add3A_805 = arith.addf %mul3A_803, %mul3A_804 : vector<16xf32>
        %lt3A_806 = arith.constant 2.000000e-01 : f32
        %lt3A_807 = vector.broadcast %lt3A_806 : f32 to vector<16xf32>
        %lt3A_808 = arith.cmpf olt, %add3A_802, %lt3A_807 : vector<16xf32>
        %lt3A_809 = arith.constant 2.000000e-01 : f32
        %lt3A_810 = vector.broadcast %lt3A_809 : f32 to vector<16xf32>
        %lt3A_811 = arith.cmpf olt, %add3A_805, %lt3A_810 : vector<16xf32>
        %or3A_812 = arith.ori %lt3A_811, %ge3A_29 : vector<16xi1>
        %all_reduce_population_count3A_813 = tpu.all_reduce %lt3A_808 {dim = 0 : i64, kind = #tpu.reduction_kind<sum>} : vector<16xi1> -> vector<16xi32>
        %all_reduce_population_count3A_814 = tpu.all_reduce %or3A_812 {dim = 0 : i64, kind = #tpu.reduction_kind<sum>} : vector<16xi1> -> vector<16xi32>
        %add3A_815 = arith.addi %all_reduce_population_count3A_813, %all_reduce_population_count3A_814 : vector<16xi32>
        %eq3A_816 = vector.broadcast %scan3A_45 : i32 to vector<16xi32>
        %eq3A_817 = arith.cmpi eq, %add3A_815, %eq3A_816 : vector<16xi32>
        %gt3A_818 = arith.constant 4 : i32
        %gt3A_819 = arith.cmpi sgt, %while3A_556, %gt3A_818 : i32
        %and3A_820 = vector.broadcast %gt3A_819 : i1 to vector<16xi1>
        %and3A_821 = arith.andi %eq3A_817, %and3A_820 : vector<16xi1>
        %or3A_822 = arith.ori %or3A_787, %and3A_821 : vector<16xi1>
        %get3A_823 = arith.constant 320 : index
        %get3A_824 = tpu.vector_load %arg10[%get3A_823] {strides = array<i32>} : memref<448xf32, #tpu.memory_space<vmem>>, vector<16xf32>,
        %get3A_825 = arith.constant 336 : index
        %get3A_826 = tpu.vector_load %arg10[%get3A_825] {strides = array<i32>} : memref<448xf32, #tpu.memory_space<vmem>>, vector<16xf32>,
        %get3A_827 = arith.constant 352 : index
        %get3A_828 = tpu.vector_load %arg10[%get3A_827] {strides = array<i32>} : memref<448xf32, #tpu.memory_space<vmem>>, vector<16xf32>,
        %get3A_829 = arith.constant 368 : index
        %get3A_830 = tpu.vector_load %arg10[%get3A_829] {strides = array<i32>} : memref<448xf32, #tpu.memory_space<vmem>>, vector<16xf32>,
        %sub3A_831 = arith.subf %gather3A_633, %get3A_824 : vector<16xf32>
        %sub3A_832 = arith.subf %gather3A_643, %get3A_828 : vector<16xf32>
        %sub3A_833 = arith.subf %gather3A_638, %get3A_826 : vector<16xf32>
        %sub3A_834 = arith.subf %gather3A_648, %get3A_830 : vector<16xf32>
        %mul3A_835 = arith.mulf %sub3A_831, %sub3A_831 : vector<16xf32>
        %mul3A_836 = arith.mulf %sub3A_832, %sub3A_832 : vector<16xf32>
        %add3A_837 = arith.addf %mul3A_835, %mul3A_836 : vector<16xf32>
        %mul3A_838 = arith.mulf %sub3A_833, %sub3A_833 : vector<16xf32>
        %mul3A_839 = arith.mulf %sub3A_834, %sub3A_834 : vector<16xf32>
        %add3A_840 = arith.addf %mul3A_838, %mul3A_839 : vector<16xf32>
        %lt3A_841 = arith.constant 2.000000e-01 : f32
        %lt3A_842 = vector.broadcast %lt3A_841 : f32 to vector<16xf32>
        %lt3A_843 = arith.cmpf olt, %add3A_837, %lt3A_842 : vector<16xf32>
        %lt3A_844 = arith.constant 2.000000e-01 : f32
        %lt3A_845 = vector.broadcast %lt3A_844 : f32 to vector<16xf32>
        %lt3A_846 = arith.cmpf olt, %add3A_840, %lt3A_845 : vector<16xf32>
        %or3A_847 = arith.ori %lt3A_846, %ge3A_29 : vector<16xi1>
        %all_reduce_population_count3A_848 = tpu.all_reduce %lt3A_843 {dim = 0 : i64, kind = #tpu.reduction_kind<sum>} : vector<16xi1> -> vector<16xi32>
        %all_reduce_population_count3A_849 = tpu.all_reduce %or3A_847 {dim = 0 : i64, kind = #tpu.reduction_kind<sum>} : vector<16xi1> -> vector<16xi32>
        %add3A_850 = arith.addi %all_reduce_population_count3A_848, %all_reduce_population_count3A_849 : vector<16xi32>
        %eq3A_851 = vector.broadcast %scan3A_45 : i32 to vector<16xi32>
        %eq3A_852 = arith.cmpi eq, %add3A_850, %eq3A_851 : vector<16xi32>
        %gt3A_853 = arith.constant 5 : i32
        %gt3A_854 = arith.cmpi sgt, %while3A_556, %gt3A_853 : i32
        %and3A_855 = vector.broadcast %gt3A_854 : i1 to vector<16xi1>
        %and3A_856 = arith.andi %eq3A_852, %and3A_855 : vector<16xi1>
        %or3A_857 = arith.ori %or3A_822, %and3A_856 : vector<16xi1>
        %all_reduce_population_count3A_858 = tpu.all_reduce %or3A_857 {dim = 0 : i64, kind = #tpu.reduction_kind<sum>} : vector<16xi1> -> vector<16xi32>
        %slice3A_859 = vector.extract_strided_slice %all_reduce_population_count3A_858 {offsets = [0], sizes = [1], strides = [1]} : vector<16xi32> to vector<1xi32>
        %squeeze3A_860 = vector.extract %slice3A_859[0] : i32 from vector<1xi32>
        %eq3A_861 = arith.cmpi eq, %squeeze3A_860, %scan3A_44 : i32
        %jit3A_862 = arith.constant 6 : i32
        %select_n3A_863 = arith.select %eq3A_861, %while3A_556, %jit3A_862 : i32
        %mul3A_864 = arith.constant 64 : i32
        %mul3A_865 = arith.muli %select_n3A_863, %mul3A_864 : i32
        %swap3A_866 = arith.index_cast %mul3A_865 : i32 to index
        %swap3A_867 = tpu.vector_load %arg10[%swap3A_866] {strides = array<i32>} : memref<448xf32, #tpu.memory_space<vmem>>, vector<16xf32>,
        tpu.vector_store %arg10[%swap3A_866], %gather3A_633 {strides = array<i32>} : memref<448xf32, #tpu.memory_space<vmem>>, vector<16xf32>,
        %add3A_868 = arith.constant 16 : i32
        %add3A_869 = arith.addi %mul3A_865, %add3A_868 : i32
        %swap3A_870 = arith.index_cast %add3A_869 : i32 to index
        %swap3A_871 = tpu.vector_load %arg10[%swap3A_870] {strides = array<i32>} : memref<448xf32, #tpu.memory_space<vmem>>, vector<16xf32>,
        tpu.vector_store %arg10[%swap3A_870], %gather3A_638 {strides = array<i32>} : memref<448xf32, #tpu.memory_space<vmem>>, vector<16xf32>,
        %add3A_872 = arith.constant 32 : i32
        %add3A_873 = arith.addi %mul3A_865, %add3A_872 : i32
        %swap3A_874 = arith.index_cast %add3A_873 : i32 to index
        %swap3A_875 = tpu.vector_load %arg10[%swap3A_874] {strides = array<i32>} : memref<448xf32, #tpu.memory_space<vmem>>, vector<16xf32>,
        tpu.vector_store %arg10[%swap3A_874], %gather3A_643 {strides = array<i32>} : memref<448xf32, #tpu.memory_space<vmem>>, vector<16xf32>,
        %add3A_876 = arith.constant 48 : i32
        %add3A_877 = arith.addi %mul3A_865, %add3A_876 : i32
        %swap3A_878 = arith.index_cast %add3A_877 : i32 to index
        %swap3A_879 = tpu.vector_load %arg10[%swap3A_878] {strides = array<i32>} : memref<448xf32, #tpu.memory_space<vmem>>, vector<16xf32>,
        tpu.vector_store %arg10[%swap3A_878], %gather3A_648 {strides = array<i32>} : memref<448xf32, #tpu.memory_space<vmem>>, vector<16xf32>,
        %jit3A_880 = arith.constant 7 : i32
        %select_n3A_881 = arith.select %eq3A_861, %while3A_556, %jit3A_880 : i32
        %swap3A_882 = arith.index_cast %select_n3A_881 : i32 to index
        %swap3A_883 = memref.load %arg11[%swap3A_882] : memref<8xi32, #tpu.memory_space<smem>>
        memref.store %add3A_630, %arg11[%swap3A_882] : memref<8xi32, #tpu.memory_space<smem>>
        %convert_element_type3A = arith.extui %eq3A_861 : i1 to i32
        %add3A_884 = arith.addi %while3A_556, %convert_element_type3A : i32
        %add3A_885 = arith.constant 1 : i32
        %add3A_886 = arith.addi %while3A_555, %add3A_885 : i32
        scf.yield %add3A_886, %add3A_884, %select_n3A_604, %select_n3A_611, %select_n3A_618, %select_n3A_625 : i32, i32, vector<16xf32>, vector<16xf32>, vector<16xf32>, vector<16xf32>
      }
      %mul3A_207 = arith.constant 360 : i32
      %mul3A_208 = arith.muli %scan3A_61, %mul3A_207 : i32
      %get3A_209 = arith.constant 0 : i32
      %get3A_210 = arith.index_cast %get3A_209 : i32 to index
      %get3A_211 = memref.load %arg11[%get3A_210] : memref<8xi32, #tpu.memory_space<smem>>
      %gt3A_212 = arith.constant 0 : i32
      %gt3A_213 = arith.cmpi sgt, %while3A_206#1, %gt3A_212 : i32
      %add3A_214 = arith.constant 0 : i32
      %add3A_215 = arith.addi %get3A_211, %add3A_214 : i32
      %get3A_216 = arith.index_cast %add3A_215 : i32 to index
      %get3A_217 = tpu.vector_load %arg6[%get3A_216] {strides = array<i32>} : memref<24064xf32, #tpu.memory_space<vmem>>, vector<16xf32>,
      %jit3A_218 = arith.constant 0.000000e+00 : f32
      %broadcast_in_dim3A_219 = vector.broadcast %jit3A_218 : f32 to vector<16xf32>
      %select_n3A_220 = arith.select %gt3A_213, %get3A_217, %broadcast_in_dim3A_219 : vector<16xf32>
      %add3A_221 = arith.constant 0 : i32
      %add3A_222 = arith.addi %mul3A_208, %add3A_221 : i32
      %add3A_223 = arith.constant 0 : i32
      %add3A_224 = arith.addi %add3A_222, %add3A_223 : i32
      %swap3A_225 = arith.index_cast %add3A_224 : i32 to index
      %swap3A_226 = tpu.vector_load %arg8[%swap3A_225] {strides = array<i32>} : memref<2880xf32, #tpu.memory_space<vmem>>, vector<16xf32>,
      tpu.vector_store %arg8[%swap3A_225], %select_n3A_220 {strides = array<i32>} : memref<2880xf32, #tpu.memory_space<vmem>>, vector<16xf32>,
      %add3A_227 = arith.constant 16 : i32
      %add3A_228 = arith.addi %get3A_211, %add3A_227 : i32
      %get3A_229 = arith.index_cast %add3A_228 : i32 to index
      %get3A_230 = tpu.vector_load %arg6[%get3A_229] {strides = array<i32>} : memref<24064xf32, #tpu.memory_space<vmem>>, vector<16xf32>,
      %jit3A_231 = arith.constant 0.000000e+00 : f32
      %broadcast_in_dim3A_232 = vector.broadcast %jit3A_231 : f32 to vector<16xf32>
      %select_n3A_233 = arith.select %gt3A_213, %get3A_230, %broadcast_in_dim3A_232 : vector<16xf32>
      %add3A_234 = arith.constant 0 : i32
      %add3A_235 = arith.addi %mul3A_208, %add3A_234 : i32
      %add3A_236 = arith.constant 16 : i32
      %add3A_237 = arith.addi %add3A_235, %add3A_236 : i32
      %swap3A_238 = arith.index_cast %add3A_237 : i32 to index
      %swap3A_239 = tpu.vector_load %arg8[%swap3A_238] {strides = array<i32>} : memref<2880xf32, #tpu.memory_space<vmem>>, vector<16xf32>,
      tpu.vector_store %arg8[%swap3A_238], %select_n3A_233 {strides = array<i32>} : memref<2880xf32, #tpu.memory_space<vmem>>, vector<16xf32>,
      %add3A_240 = arith.constant 32 : i32
      %add3A_241 = arith.addi %get3A_211, %add3A_240 : i32
      %get3A_242 = arith.index_cast %add3A_241 : i32 to index
      %get3A_243 = tpu.vector_load %arg6[%get3A_242] {strides = array<i32>} : memref<24064xf32, #tpu.memory_space<vmem>>, vector<16xf32>,
      %jit3A_244 = arith.constant 0.000000e+00 : f32
      %broadcast_in_dim3A_245 = vector.broadcast %jit3A_244 : f32 to vector<16xf32>
      %select_n3A_246 = arith.select %gt3A_213, %get3A_243, %broadcast_in_dim3A_245 : vector<16xf32>
      %add3A_247 = arith.constant 0 : i32
      %add3A_248 = arith.addi %mul3A_208, %add3A_247 : i32
      %add3A_249 = arith.constant 32 : i32
      %add3A_250 = arith.addi %add3A_248, %add3A_249 : i32
      %swap3A_251 = arith.index_cast %add3A_250 : i32 to index
      %swap3A_252 = tpu.vector_load %arg8[%swap3A_251] {strides = array<i32>} : memref<2880xf32, #tpu.memory_space<vmem>>, vector<16xf32>,
      tpu.vector_store %arg8[%swap3A_251], %select_n3A_246 {strides = array<i32>} : memref<2880xf32, #tpu.memory_space<vmem>>, vector<16xf32>,
      %add3A_253 = arith.constant 44 : i32
      %add3A_254 = arith.addi %get3A_211, %add3A_253 : i32
      %get3A_255 = arith.index_cast %add3A_254 : i32 to index
      %get3A_256 = tpu.vector_load %arg6[%get3A_255] {strides = array<i32>} : memref<24064xf32, #tpu.memory_space<vmem>>, vector<16xf32>,
      %jit3A_257 = arith.constant 0.000000e+00 : f32
      %broadcast_in_dim3A_258 = vector.broadcast %jit3A_257 : f32 to vector<16xf32>
      %select_n3A_259 = arith.select %gt3A_213, %get3A_256, %broadcast_in_dim3A_258 : vector<16xf32>
      %add3A_260 = arith.constant 0 : i32
      %add3A_261 = arith.addi %mul3A_208, %add3A_260 : i32
      %add3A_262 = arith.constant 44 : i32
      %add3A_263 = arith.addi %add3A_261, %add3A_262 : i32
      %swap3A_264 = arith.index_cast %add3A_263 : i32 to index
      %swap3A_265 = tpu.vector_load %arg8[%swap3A_264] {strides = array<i32>} : memref<2880xf32, #tpu.memory_space<vmem>>, vector<16xf32>,
      tpu.vector_store %arg8[%swap3A_264], %select_n3A_259 {strides = array<i32>} : memref<2880xf32, #tpu.memory_space<vmem>>, vector<16xf32>,
      %get3A_266 = arith.constant 1 : i32
      %get3A_267 = arith.index_cast %get3A_266 : i32 to index
      %get3A_268 = memref.load %arg11[%get3A_267] : memref<8xi32, #tpu.memory_space<smem>>
      %gt3A_269 = arith.constant 1 : i32
      %gt3A_270 = arith.cmpi sgt, %while3A_206#1, %gt3A_269 : i32
      %add3A_271 = arith.constant 0 : i32
      %add3A_272 = arith.addi %get3A_268, %add3A_271 : i32
      %get3A_273 = arith.index_cast %add3A_272 : i32 to index
      %get3A_274 = tpu.vector_load %arg6[%get3A_273] {strides = array<i32>} : memref<24064xf32, #tpu.memory_space<vmem>>, vector<16xf32>,
      %jit3A_275 = arith.constant 0.000000e+00 : f32
      %broadcast_in_dim3A_276 = vector.broadcast %jit3A_275 : f32 to vector<16xf32>
      %select_n3A_277 = arith.select %gt3A_270, %get3A_274, %broadcast_in_dim3A_276 : vector<16xf32>
      %add3A_278 = arith.constant 60 : i32
      %add3A_279 = arith.addi %mul3A_208, %add3A_278 : i32
      %add3A_280 = arith.constant 0 : i32
      %add3A_281 = arith.addi %add3A_279, %add3A_280 : i32
      %swap3A_282 = arith.index_cast %add3A_281 : i32 to index
      %swap3A_283 = tpu.vector_load %arg8[%swap3A_282] {strides = array<i32>} : memref<2880xf32, #tpu.memory_space<vmem>>, vector<16xf32>,
      tpu.vector_store %arg8[%swap3A_282], %select_n3A_277 {strides = array<i32>} : memref<2880xf32, #tpu.memory_space<vmem>>, vector<16xf32>,
      %add3A_284 = arith.constant 16 : i32
      %add3A_285 = arith.addi %get3A_268, %add3A_284 : i32
      %get3A_286 = arith.index_cast %add3A_285 : i32 to index
      %get3A_287 = tpu.vector_load %arg6[%get3A_286] {strides = array<i32>} : memref<24064xf32, #tpu.memory_space<vmem>>, vector<16xf32>,
      %jit3A_288 = arith.constant 0.000000e+00 : f32
      %broadcast_in_dim3A_289 = vector.broadcast %jit3A_288 : f32 to vector<16xf32>
      %select_n3A_290 = arith.select %gt3A_270, %get3A_287, %broadcast_in_dim3A_289 : vector<16xf32>
      %add3A_291 = arith.constant 60 : i32
      %add3A_292 = arith.addi %mul3A_208, %add3A_291 : i32
      %add3A_293 = arith.constant 16 : i32
      %add3A_294 = arith.addi %add3A_292, %add3A_293 : i32
      %swap3A_295 = arith.index_cast %add3A_294 : i32 to index
      %swap3A_296 = tpu.vector_load %arg8[%swap3A_295] {strides = array<i32>} : memref<2880xf32, #tpu.memory_space<vmem>>, vector<16xf32>,
      tpu.vector_store %arg8[%swap3A_295], %select_n3A_290 {strides = array<i32>} : memref<2880xf32, #tpu.memory_space<vmem>>, vector<16xf32>,
      %add3A_297 = arith.constant 32 : i32
      %add3A_298 = arith.addi %get3A_268, %add3A_297 : i32
      %get3A_299 = arith.index_cast %add3A_298 : i32 to index
      %get3A_300 = tpu.vector_load %arg6[%get3A_299] {strides = array<i32>} : memref<24064xf32, #tpu.memory_space<vmem>>, vector<16xf32>,
      %jit3A_301 = arith.constant 0.000000e+00 : f32
      %broadcast_in_dim3A_302 = vector.broadcast %jit3A_301 : f32 to vector<16xf32>
      %select_n3A_303 = arith.select %gt3A_270, %get3A_300, %broadcast_in_dim3A_302 : vector<16xf32>
      %add3A_304 = arith.constant 60 : i32
      %add3A_305 = arith.addi %mul3A_208, %add3A_304 : i32
      %add3A_306 = arith.constant 32 : i32
      %add3A_307 = arith.addi %add3A_305, %add3A_306 : i32
      %swap3A_308 = arith.index_cast %add3A_307 : i32 to index
      %swap3A_309 = tpu.vector_load %arg8[%swap3A_308] {strides = array<i32>} : memref<2880xf32, #tpu.memory_space<vmem>>, vector<16xf32>,
      tpu.vector_store %arg8[%swap3A_308], %select_n3A_303 {strides = array<i32>} : memref<2880xf32, #tpu.memory_space<vmem>>, vector<16xf32>,
      %add3A_310 = arith.constant 44 : i32
      %add3A_311 = arith.addi %get3A_268, %add3A_310 : i32
      %get3A_312 = arith.index_cast %add3A_311 : i32 to index
      %get3A_313 = tpu.vector_load %arg6[%get3A_312] {strides = array<i32>} : memref<24064xf32, #tpu.memory_space<vmem>>, vector<16xf32>,
      %jit3A_314 = arith.constant 0.000000e+00 : f32
      %broadcast_in_dim3A_315 = vector.broadcast %jit3A_314 : f32 to vector<16xf32>
      %select_n3A_316 = arith.select %gt3A_270, %get3A_313, %broadcast_in_dim3A_315 : vector<16xf32>
      %add3A_317 = arith.constant 60 : i32
      %add3A_318 = arith.addi %mul3A_208, %add3A_317 : i32
      %add3A_319 = arith.constant 44 : i32
      %add3A_320 = arith.addi %add3A_318, %add3A_319 : i32
      %swap3A_321 = arith.index_cast %add3A_320 : i32 to index
      %swap3A_322 = tpu.vector_load %arg8[%swap3A_321] {strides = array<i32>} : memref<2880xf32, #tpu.memory_space<vmem>>, vector<16xf32>,
      tpu.vector_store %arg8[%swap3A_321], %select_n3A_316 {strides = array<i32>} : memref<2880xf32, #tpu.memory_space<vmem>>, vector<16xf32>,
      %get3A_323 = arith.constant 2 : i32
      %get3A_324 = arith.index_cast %get3A_323 : i32 to index
      %get3A_325 = memref.load %arg11[%get3A_324] : memref<8xi32, #tpu.memory_space<smem>>
      %gt3A_326 = arith.constant 2 : i32
      %gt3A_327 = arith.cmpi sgt, %while3A_206#1, %gt3A_326 : i32
      %add3A_328 = arith.constant 0 : i32
      %add3A_329 = arith.addi %get3A_325, %add3A_328 : i32
      %get3A_330 = arith.index_cast %add3A_329 : i32 to index
      %get3A_331 = tpu.vector_load %arg6[%get3A_330] {strides = array<i32>} : memref<24064xf32, #tpu.memory_space<vmem>>, vector<16xf32>,
      %jit3A_332 = arith.constant 0.000000e+00 : f32
      %broadcast_in_dim3A_333 = vector.broadcast %jit3A_332 : f32 to vector<16xf32>
      %select_n3A_334 = arith.select %gt3A_327, %get3A_331, %broadcast_in_dim3A_333 : vector<16xf32>
      %add3A_335 = arith.constant 120 : i32
      %add3A_336 = arith.addi %mul3A_208, %add3A_335 : i32
      %add3A_337 = arith.constant 0 : i32
      %add3A_338 = arith.addi %add3A_336, %add3A_337 : i32
      %swap3A_339 = arith.index_cast %add3A_338 : i32 to index
      %swap3A_340 = tpu.vector_load %arg8[%swap3A_339] {strides = array<i32>} : memref<2880xf32, #tpu.memory_space<vmem>>, vector<16xf32>,
      tpu.vector_store %arg8[%swap3A_339], %select_n3A_334 {strides = array<i32>} : memref<2880xf32, #tpu.memory_space<vmem>>, vector<16xf32>,
      %add3A_341 = arith.constant 16 : i32
      %add3A_342 = arith.addi %get3A_325, %add3A_341 : i32
      %get3A_343 = arith.index_cast %add3A_342 : i32 to index
      %get3A_344 = tpu.vector_load %arg6[%get3A_343] {strides = array<i32>} : memref<24064xf32, #tpu.memory_space<vmem>>, vector<16xf32>,
      %jit3A_345 = arith.constant 0.000000e+00 : f32
      %broadcast_in_dim3A_346 = vector.broadcast %jit3A_345 : f32 to vector<16xf32>
      %select_n3A_347 = arith.select %gt3A_327, %get3A_344, %broadcast_in_dim3A_346 : vector<16xf32>
      %add3A_348 = arith.constant 120 : i32
      %add3A_349 = arith.addi %mul3A_208, %add3A_348 : i32
      %add3A_350 = arith.constant 16 : i32
      %add3A_351 = arith.addi %add3A_349, %add3A_350 : i32
      %swap3A_352 = arith.index_cast %add3A_351 : i32 to index
      %swap3A_353 = tpu.vector_load %arg8[%swap3A_352] {strides = array<i32>} : memref<2880xf32, #tpu.memory_space<vmem>>, vector<16xf32>,
      tpu.vector_store %arg8[%swap3A_352], %select_n3A_347 {strides = array<i32>} : memref<2880xf32, #tpu.memory_space<vmem>>, vector<16xf32>,
      %add3A_354 = arith.constant 32 : i32
      %add3A_355 = arith.addi %get3A_325, %add3A_354 : i32
      %get3A_356 = arith.index_cast %add3A_355 : i32 to index
      %get3A_357 = tpu.vector_load %arg6[%get3A_356] {strides = array<i32>} : memref<24064xf32, #tpu.memory_space<vmem>>, vector<16xf32>,
      %jit3A_358 = arith.constant 0.000000e+00 : f32
      %broadcast_in_dim3A_359 = vector.broadcast %jit3A_358 : f32 to vector<16xf32>
      %select_n3A_360 = arith.select %gt3A_327, %get3A_357, %broadcast_in_dim3A_359 : vector<16xf32>
      %add3A_361 = arith.constant 120 : i32
      %add3A_362 = arith.addi %mul3A_208, %add3A_361 : i32
      %add3A_363 = arith.constant 32 : i32
      %add3A_364 = arith.addi %add3A_362, %add3A_363 : i32
      %swap3A_365 = arith.index_cast %add3A_364 : i32 to index
      %swap3A_366 = tpu.vector_load %arg8[%swap3A_365] {strides = array<i32>} : memref<2880xf32, #tpu.memory_space<vmem>>, vector<16xf32>,
      tpu.vector_store %arg8[%swap3A_365], %select_n3A_360 {strides = array<i32>} : memref<2880xf32, #tpu.memory_space<vmem>>, vector<16xf32>,
      %add3A_367 = arith.constant 44 : i32
      %add3A_368 = arith.addi %get3A_325, %add3A_367 : i32
      %get3A_369 = arith.index_cast %add3A_368 : i32 to index
      %get3A_370 = tpu.vector_load %arg6[%get3A_369] {strides = array<i32>} : memref<24064xf32, #tpu.memory_space<vmem>>, vector<16xf32>,
      %jit3A_371 = arith.constant 0.000000e+00 : f32
      %broadcast_in_dim3A_372 = vector.broadcast %jit3A_371 : f32 to vector<16xf32>
      %select_n3A_373 = arith.select %gt3A_327, %get3A_370, %broadcast_in_dim3A_372 : vector<16xf32>
      %add3A_374 = arith.constant 120 : i32
      %add3A_375 = arith.addi %mul3A_208, %add3A_374 : i32
      %add3A_376 = arith.constant 44 : i32
      %add3A_377 = arith.addi %add3A_375, %add3A_376 : i32
      %swap3A_378 = arith.index_cast %add3A_377 : i32 to index
      %swap3A_379 = tpu.vector_load %arg8[%swap3A_378] {strides = array<i32>} : memref<2880xf32, #tpu.memory_space<vmem>>, vector<16xf32>,
      tpu.vector_store %arg8[%swap3A_378], %select_n3A_373 {strides = array<i32>} : memref<2880xf32, #tpu.memory_space<vmem>>, vector<16xf32>,
      %get3A_380 = arith.constant 3 : i32
      %get3A_381 = arith.index_cast %get3A_380 : i32 to index
      %get3A_382 = memref.load %arg11[%get3A_381] : memref<8xi32, #tpu.memory_space<smem>>
      %gt3A_383 = arith.constant 3 : i32
      %gt3A_384 = arith.cmpi sgt, %while3A_206#1, %gt3A_383 : i32
      %add3A_385 = arith.constant 0 : i32
      %add3A_386 = arith.addi %get3A_382, %add3A_385 : i32
      %get3A_387 = arith.index_cast %add3A_386 : i32 to index
      %get3A_388 = tpu.vector_load %arg6[%get3A_387] {strides = array<i32>} : memref<24064xf32, #tpu.memory_space<vmem>>, vector<16xf32>,
      %jit3A_389 = arith.constant 0.000000e+00 : f32
      %broadcast_in_dim3A_390 = vector.broadcast %jit3A_389 : f32 to vector<16xf32>
      %select_n3A_391 = arith.select %gt3A_384, %get3A_388, %broadcast_in_dim3A_390 : vector<16xf32>
      %add3A_392 = arith.constant 180 : i32
      %add3A_393 = arith.addi %mul3A_208, %add3A_392 : i32
      %add3A_394 = arith.constant 0 : i32
      %add3A_395 = arith.addi %add3A_393, %add3A_394 : i32
      %swap3A_396 = arith.index_cast %add3A_395 : i32 to index
      %swap3A_397 = tpu.vector_load %arg8[%swap3A_396] {strides = array<i32>} : memref<2880xf32, #tpu.memory_space<vmem>>, vector<16xf32>,
      tpu.vector_store %arg8[%swap3A_396], %select_n3A_391 {strides = array<i32>} : memref<2880xf32, #tpu.memory_space<vmem>>, vector<16xf32>,
      %add3A_398 = arith.constant 16 : i32
      %add3A_399 = arith.addi %get3A_382, %add3A_398 : i32
      %get3A_400 = arith.index_cast %add3A_399 : i32 to index
      %get3A_401 = tpu.vector_load %arg6[%get3A_400] {strides = array<i32>} : memref<24064xf32, #tpu.memory_space<vmem>>, vector<16xf32>,
      %jit3A_402 = arith.constant 0.000000e+00 : f32
      %broadcast_in_dim3A_403 = vector.broadcast %jit3A_402 : f32 to vector<16xf32>
      %select_n3A_404 = arith.select %gt3A_384, %get3A_401, %broadcast_in_dim3A_403 : vector<16xf32>
      %add3A_405 = arith.constant 180 : i32
      %add3A_406 = arith.addi %mul3A_208, %add3A_405 : i32
      %add3A_407 = arith.constant 16 : i32
      %add3A_408 = arith.addi %add3A_406, %add3A_407 : i32
      %swap3A_409 = arith.index_cast %add3A_408 : i32 to index
      %swap3A_410 = tpu.vector_load %arg8[%swap3A_409] {strides = array<i32>} : memref<2880xf32, #tpu.memory_space<vmem>>, vector<16xf32>,
      tpu.vector_store %arg8[%swap3A_409], %select_n3A_404 {strides = array<i32>} : memref<2880xf32, #tpu.memory_space<vmem>>, vector<16xf32>,
      %add3A_411 = arith.constant 32 : i32
      %add3A_412 = arith.addi %get3A_382, %add3A_411 : i32
      %get3A_413 = arith.index_cast %add3A_412 : i32 to index
      %get3A_414 = tpu.vector_load %arg6[%get3A_413] {strides = array<i32>} : memref<24064xf32, #tpu.memory_space<vmem>>, vector<16xf32>,
      %jit3A_415 = arith.constant 0.000000e+00 : f32
      %broadcast_in_dim3A_416 = vector.broadcast %jit3A_415 : f32 to vector<16xf32>
      %select_n3A_417 = arith.select %gt3A_384, %get3A_414, %broadcast_in_dim3A_416 : vector<16xf32>
      %add3A_418 = arith.constant 180 : i32
      %add3A_419 = arith.addi %mul3A_208, %add3A_418 : i32
      %add3A_420 = arith.constant 32 : i32
      %add3A_421 = arith.addi %add3A_419, %add3A_420 : i32
      %swap3A_422 = arith.index_cast %add3A_421 : i32 to index
      %swap3A_423 = tpu.vector_load %arg8[%swap3A_422] {strides = array<i32>} : memref<2880xf32, #tpu.memory_space<vmem>>, vector<16xf32>,
      tpu.vector_store %arg8[%swap3A_422], %select_n3A_417 {strides = array<i32>} : memref<2880xf32, #tpu.memory_space<vmem>>, vector<16xf32>,
      %add3A_424 = arith.constant 44 : i32
      %add3A_425 = arith.addi %get3A_382, %add3A_424 : i32
      %get3A_426 = arith.index_cast %add3A_425 : i32 to index
      %get3A_427 = tpu.vector_load %arg6[%get3A_426] {strides = array<i32>} : memref<24064xf32, #tpu.memory_space<vmem>>, vector<16xf32>,
      %jit3A_428 = arith.constant 0.000000e+00 : f32
      %broadcast_in_dim3A_429 = vector.broadcast %jit3A_428 : f32 to vector<16xf32>
      %select_n3A_430 = arith.select %gt3A_384, %get3A_427, %broadcast_in_dim3A_429 : vector<16xf32>
      %add3A_431 = arith.constant 180 : i32
      %add3A_432 = arith.addi %mul3A_208, %add3A_431 : i32
      %add3A_433 = arith.constant 44 : i32
      %add3A_434 = arith.addi %add3A_432, %add3A_433 : i32
      %swap3A_435 = arith.index_cast %add3A_434 : i32 to index
      %swap3A_436 = tpu.vector_load %arg8[%swap3A_435] {strides = array<i32>} : memref<2880xf32, #tpu.memory_space<vmem>>, vector<16xf32>,
      tpu.vector_store %arg8[%swap3A_435], %select_n3A_430 {strides = array<i32>} : memref<2880xf32, #tpu.memory_space<vmem>>, vector<16xf32>,
      %get3A_437 = arith.constant 4 : i32
      %get3A_438 = arith.index_cast %get3A_437 : i32 to index
      %get3A_439 = memref.load %arg11[%get3A_438] : memref<8xi32, #tpu.memory_space<smem>>
      %gt3A_440 = arith.constant 4 : i32
      %gt3A_441 = arith.cmpi sgt, %while3A_206#1, %gt3A_440 : i32
      %add3A_442 = arith.constant 0 : i32
      %add3A_443 = arith.addi %get3A_439, %add3A_442 : i32
      %get3A_444 = arith.index_cast %add3A_443 : i32 to index
      %get3A_445 = tpu.vector_load %arg6[%get3A_444] {strides = array<i32>} : memref<24064xf32, #tpu.memory_space<vmem>>, vector<16xf32>,
      %jit3A_446 = arith.constant 0.000000e+00 : f32
      %broadcast_in_dim3A_447 = vector.broadcast %jit3A_446 : f32 to vector<16xf32>
      %select_n3A_448 = arith.select %gt3A_441, %get3A_445, %broadcast_in_dim3A_447 : vector<16xf32>
      %add3A_449 = arith.constant 240 : i32
      %add3A_450 = arith.addi %mul3A_208, %add3A_449 : i32
      %add3A_451 = arith.constant 0 : i32
      %add3A_452 = arith.addi %add3A_450, %add3A_451 : i32
      %swap3A_453 = arith.index_cast %add3A_452 : i32 to index
      %swap3A_454 = tpu.vector_load %arg8[%swap3A_453] {strides = array<i32>} : memref<2880xf32, #tpu.memory_space<vmem>>, vector<16xf32>,
      tpu.vector_store %arg8[%swap3A_453], %select_n3A_448 {strides = array<i32>} : memref<2880xf32, #tpu.memory_space<vmem>>, vector<16xf32>,
      %add3A_455 = arith.constant 16 : i32
      %add3A_456 = arith.addi %get3A_439, %add3A_455 : i32
      %get3A_457 = arith.index_cast %add3A_456 : i32 to index
      %get3A_458 = tpu.vector_load %arg6[%get3A_457] {strides = array<i32>} : memref<24064xf32, #tpu.memory_space<vmem>>, vector<16xf32>,
      %jit3A_459 = arith.constant 0.000000e+00 : f32
      %broadcast_in_dim3A_460 = vector.broadcast %jit3A_459 : f32 to vector<16xf32>
      %select_n3A_461 = arith.select %gt3A_441, %get3A_458, %broadcast_in_dim3A_460 : vector<16xf32>
      %add3A_462 = arith.constant 240 : i32
      %add3A_463 = arith.addi %mul3A_208, %add3A_462 : i32
      %add3A_464 = arith.constant 16 : i32
      %add3A_465 = arith.addi %add3A_463, %add3A_464 : i32
      %swap3A_466 = arith.index_cast %add3A_465 : i32 to index
      %swap3A_467 = tpu.vector_load %arg8[%swap3A_466] {strides = array<i32>} : memref<2880xf32, #tpu.memory_space<vmem>>, vector<16xf32>,
      tpu.vector_store %arg8[%swap3A_466], %select_n3A_461 {strides = array<i32>} : memref<2880xf32, #tpu.memory_space<vmem>>, vector<16xf32>,
      %add3A_468 = arith.constant 32 : i32
      %add3A_469 = arith.addi %get3A_439, %add3A_468 : i32
      %get3A_470 = arith.index_cast %add3A_469 : i32 to index
      %get3A_471 = tpu.vector_load %arg6[%get3A_470] {strides = array<i32>} : memref<24064xf32, #tpu.memory_space<vmem>>, vector<16xf32>,
      %jit3A_472 = arith.constant 0.000000e+00 : f32
      %broadcast_in_dim3A_473 = vector.broadcast %jit3A_472 : f32 to vector<16xf32>
      %select_n3A_474 = arith.select %gt3A_441, %get3A_471, %broadcast_in_dim3A_473 : vector<16xf32>
      %add3A_475 = arith.constant 240 : i32
      %add3A_476 = arith.addi %mul3A_208, %add3A_475 : i32
      %add3A_477 = arith.constant 32 : i32
      %add3A_478 = arith.addi %add3A_476, %add3A_477 : i32
      %swap3A_479 = arith.index_cast %add3A_478 : i32 to index
      %swap3A_480 = tpu.vector_load %arg8[%swap3A_479] {strides = array<i32>} : memref<2880xf32, #tpu.memory_space<vmem>>, vector<16xf32>,
      tpu.vector_store %arg8[%swap3A_479], %select_n3A_474 {strides = array<i32>} : memref<2880xf32, #tpu.memory_space<vmem>>, vector<16xf32>,
      %add3A_481 = arith.constant 44 : i32
      %add3A_482 = arith.addi %get3A_439, %add3A_481 : i32
      %get3A_483 = arith.index_cast %add3A_482 : i32 to index
      %get3A_484 = tpu.vector_load %arg6[%get3A_483] {strides = array<i32>} : memref<24064xf32, #tpu.memory_space<vmem>>, vector<16xf32>,
      %jit3A_485 = arith.constant 0.000000e+00 : f32
      %broadcast_in_dim3A_486 = vector.broadcast %jit3A_485 : f32 to vector<16xf32>
      %select_n3A_487 = arith.select %gt3A_441, %get3A_484, %broadcast_in_dim3A_486 : vector<16xf32>
      %add3A_488 = arith.constant 240 : i32
      %add3A_489 = arith.addi %mul3A_208, %add3A_488 : i32
      %add3A_490 = arith.constant 44 : i32
      %add3A_491 = arith.addi %add3A_489, %add3A_490 : i32
      %swap3A_492 = arith.index_cast %add3A_491 : i32 to index
      %swap3A_493 = tpu.vector_load %arg8[%swap3A_492] {strides = array<i32>} : memref<2880xf32, #tpu.memory_space<vmem>>, vector<16xf32>,
      tpu.vector_store %arg8[%swap3A_492], %select_n3A_487 {strides = array<i32>} : memref<2880xf32, #tpu.memory_space<vmem>>, vector<16xf32>,
      %get3A_494 = arith.constant 5 : i32
      %get3A_495 = arith.index_cast %get3A_494 : i32 to index
      %get3A_496 = memref.load %arg11[%get3A_495] : memref<8xi32, #tpu.memory_space<smem>>
      %gt3A_497 = arith.constant 5 : i32
      %gt3A_498 = arith.cmpi sgt, %while3A_206#1, %gt3A_497 : i32
      %add3A_499 = arith.constant 0 : i32
      %add3A_500 = arith.addi %get3A_496, %add3A_499 : i32
      %get3A_501 = arith.index_cast %add3A_500 : i32 to index
      %get3A_502 = tpu.vector_load %arg6[%get3A_501] {strides = array<i32>} : memref<24064xf32, #tpu.memory_space<vmem>>, vector<16xf32>,
      %jit3A_503 = arith.constant 0.000000e+00 : f32
      %broadcast_in_dim3A_504 = vector.broadcast %jit3A_503 : f32 to vector<16xf32>
      %select_n3A_505 = arith.select %gt3A_498, %get3A_502, %broadcast_in_dim3A_504 : vector<16xf32>
      %add3A_506 = arith.constant 300 : i32
      %add3A_507 = arith.addi %mul3A_208, %add3A_506 : i32
      %add3A_508 = arith.constant 0 : i32
      %add3A_509 = arith.addi %add3A_507, %add3A_508 : i32
      %swap3A_510 = arith.index_cast %add3A_509 : i32 to index
      %swap3A_511 = tpu.vector_load %arg8[%swap3A_510] {strides = array<i32>} : memref<2880xf32, #tpu.memory_space<vmem>>, vector<16xf32>,
      tpu.vector_store %arg8[%swap3A_510], %select_n3A_505 {strides = array<i32>} : memref<2880xf32, #tpu.memory_space<vmem>>, vector<16xf32>,
      %add3A_512 = arith.constant 16 : i32
      %add3A_513 = arith.addi %get3A_496, %add3A_512 : i32
      %get3A_514 = arith.index_cast %add3A_513 : i32 to index
      %get3A_515 = tpu.vector_load %arg6[%get3A_514] {strides = array<i32>} : memref<24064xf32, #tpu.memory_space<vmem>>, vector<16xf32>,
      %jit3A_516 = arith.constant 0.000000e+00 : f32
      %broadcast_in_dim3A_517 = vector.broadcast %jit3A_516 : f32 to vector<16xf32>
      %select_n3A_518 = arith.select %gt3A_498, %get3A_515, %broadcast_in_dim3A_517 : vector<16xf32>
      %add3A_519 = arith.constant 300 : i32
      %add3A_520 = arith.addi %mul3A_208, %add3A_519 : i32
      %add3A_521 = arith.constant 16 : i32
      %add3A_522 = arith.addi %add3A_520, %add3A_521 : i32
      %swap3A_523 = arith.index_cast %add3A_522 : i32 to index
      %swap3A_524 = tpu.vector_load %arg8[%swap3A_523] {strides = array<i32>} : memref<2880xf32, #tpu.memory_space<vmem>>, vector<16xf32>,
      tpu.vector_store %arg8[%swap3A_523], %select_n3A_518 {strides = array<i32>} : memref<2880xf32, #tpu.memory_space<vmem>>, vector<16xf32>,
      %add3A_525 = arith.constant 32 : i32
      %add3A_526 = arith.addi %get3A_496, %add3A_525 : i32
      %get3A_527 = arith.index_cast %add3A_526 : i32 to index
      %get3A_528 = tpu.vector_load %arg6[%get3A_527] {strides = array<i32>} : memref<24064xf32, #tpu.memory_space<vmem>>, vector<16xf32>,
      %jit3A_529 = arith.constant 0.000000e+00 : f32
      %broadcast_in_dim3A_530 = vector.broadcast %jit3A_529 : f32 to vector<16xf32>
      %select_n3A_531 = arith.select %gt3A_498, %get3A_528, %broadcast_in_dim3A_530 : vector<16xf32>
      %add3A_532 = arith.constant 300 : i32
      %add3A_533 = arith.addi %mul3A_208, %add3A_532 : i32
      %add3A_534 = arith.constant 32 : i32
      %add3A_535 = arith.addi %add3A_533, %add3A_534 : i32
      %swap3A_536 = arith.index_cast %add3A_535 : i32 to index
      %swap3A_537 = tpu.vector_load %arg8[%swap3A_536] {strides = array<i32>} : memref<2880xf32, #tpu.memory_space<vmem>>, vector<16xf32>,
      tpu.vector_store %arg8[%swap3A_536], %select_n3A_531 {strides = array<i32>} : memref<2880xf32, #tpu.memory_space<vmem>>, vector<16xf32>,
      %add3A_538 = arith.constant 44 : i32
      %add3A_539 = arith.addi %get3A_496, %add3A_538 : i32
      %get3A_540 = arith.index_cast %add3A_539 : i32 to index
      %get3A_541 = tpu.vector_load %arg6[%get3A_540] {strides = array<i32>} : memref<24064xf32, #tpu.memory_space<vmem>>, vector<16xf32>,
      %jit3A_542 = arith.constant 0.000000e+00 : f32
      %broadcast_in_dim3A_543 = vector.broadcast %jit3A_542 : f32 to vector<16xf32>
      %select_n3A_544 = arith.select %gt3A_498, %get3A_541, %broadcast_in_dim3A_543 : vector<16xf32>
      %add3A_545 = arith.constant 300 : i32
      %add3A_546 = arith.addi %mul3A_208, %add3A_545 : i32
      %add3A_547 = arith.constant 44 : i32
      %add3A_548 = arith.addi %add3A_546, %add3A_547 : i32
      %swap3A_549 = arith.index_cast %add3A_548 : i32 to index
      %swap3A_550 = tpu.vector_load %arg8[%swap3A_549] {strides = array<i32>} : memref<2880xf32, #tpu.memory_space<vmem>>, vector<16xf32>,
      tpu.vector_store %arg8[%swap3A_549], %select_n3A_544 {strides = array<i32>} : memref<2880xf32, #tpu.memory_space<vmem>>, vector<16xf32>,
      %eq3A_551 = vector.broadcast %scan3A_61 : i32 to vector<16xi32>
      %eq3A_552 = arith.cmpi eq, %iota3A, %eq3A_551 : vector<16xi32>
      %broadcast_in_dim3A_553 = vector.broadcast %while3A_206#1 : i32 to vector<16xi32>
      %select_n3A_554 = arith.select %eq3A_552, %broadcast_in_dim3A_553, %scan3A_62 : vector<16xi1>, vector<16xi32>
      scf.yield %select_n3A_554 : vector<16xi32>
    }
    %scan3A_51 = arith.constant 6 : i32
    %swap3A = arith.constant 0 : index
    %swap3A_52 = tpu.vector_load %arg9[%swap3A] {strides = array<i32>} : memref<16xi32, #tpu.memory_space<vmem>>, vector<16xi32>,
    tpu.vector_store %arg9[%swap3A], %scan3A_50 {strides = array<i32>} : memref<16xi32, #tpu.memory_space<vmem>>, vector<16xi32>,
    %mul3A_53 = arith.constant 2880 : i32
    %mul3A_54 = arith.muli %add3A, %mul3A_53 : i32
    %dma_start3A_55 = tpu.memref_slice %arg4[%mul3A_54] : memref<92160xf32, #tpu.memory_space<hbm>> -> memref<2880xf32, #tpu.memory_space<hbm>>
    %dma_start3A_56 = tpu.memref_slice %arg4[%mul3A_54] : memref<92160xf32, #tpu.memory_space<hbm>> -> memref<2880xf32, #tpu.memory_space<hbm>>
    tpu.enqueue_dma source(%arg8 : memref<2880xf32, #tpu.memory_space<vmem>>) target(%dma_start3A_56 : memref<2880xf32, #tpu.memory_space<hbm>>) target_semaphore(%arg12 : memref<!tpu.dma_semaphore, #tpu.memory_space<semaphore_mem>>)
    %mul3A_57 = arith.constant 8 : i32
    %mul3A_58 = arith.muli %add3A, %mul3A_57 : i32
    "tpu.region"() ({
      %run_scoped3A = tpu.sem_alloc : memref<!tpu.dma_semaphore, #tpu.memory_space<semaphore_mem>>
      %dma_start3A_61 = arith.constant 0 : i32
      %dma_start3A_62 = tpu.memref_slice %arg9[%dma_start3A_61] : memref<16xi32, #tpu.memory_space<vmem>> -> memref<8xi32, #tpu.memory_space<vmem>>
      %dma_start3A_63 = tpu.memref_slice %arg5[%mul3A_58] : memref<256xi32, #tpu.memory_space<hbm>> -> memref<8xi32, #tpu.memory_space<hbm>>
      %dma_start3A_64 = tpu.memref_slice %arg5[%mul3A_58] : memref<256xi32, #tpu.memory_space<hbm>> -> memref<8xi32, #tpu.memory_space<hbm>>
      %dma_start3A_65 = arith.constant 0 : i32
      %dma_start3A_66 = tpu.memref_slice %arg9[%dma_start3A_65] : memref<16xi32, #tpu.memory_space<vmem>> -> memref<8xi32, #tpu.memory_space<vmem>>
      tpu.enqueue_dma source(%dma_start3A_66 : memref<8xi32, #tpu.memory_space<vmem>>) target(%dma_start3A_64 : memref<8xi32, #tpu.memory_space<hbm>>) target_semaphore(%run_scoped3A : memref<!tpu.dma_semaphore, #tpu.memory_space<semaphore_mem>>)
      %dma_wait3A_67 = arith.constant 0 : i32
      %dma_wait3A_68 = tpu.memref_slice %arg9[%dma_wait3A_67] : memref<16xi32, #tpu.memory_space<vmem>> -> memref<8xi32, #tpu.memory_space<vmem>>
      %dma_wait3A_69 = tpu.memref_slice %arg5[%mul3A_58] : memref<256xi32, #tpu.memory_space<hbm>> -> memref<8xi32, #tpu.memory_space<hbm>>
      %dma_wait3A_70 = tpu.memref_slice %arg5[%mul3A_58] : memref<256xi32, #tpu.memory_space<hbm>> -> memref<8xi32, #tpu.memory_space<hbm>>
      %dma_wait3A_71 = arith.constant 0 : i32
      %dma_wait3A_72 = tpu.memref_slice %arg9[%dma_wait3A_71] : memref<16xi32, #tpu.memory_space<vmem>> -> memref<8xi32, #tpu.memory_space<vmem>>
      tpu.wait_dma2 semaphore(%run_scoped3A : memref<!tpu.dma_semaphore, #tpu.memory_space<semaphore_mem>>) src(%dma_wait3A_72 : memref<8xi32, #tpu.memory_space<vmem>>) dst(%dma_wait3A_70 : memref<8xi32, #tpu.memory_space<hbm>>)
      tpu.yield
    }) : () -> ()
    %dma_wait3A_59 = tpu.memref_slice %arg4[%mul3A_54] : memref<92160xf32, #tpu.memory_space<hbm>> -> memref<2880xf32, #tpu.memory_space<hbm>>
    %dma_wait3A_60 = tpu.memref_slice %arg4[%mul3A_54] : memref<92160xf32, #tpu.memory_space<hbm>> -> memref<2880xf32, #tpu.memory_space<hbm>>
    tpu.wait_dma2 semaphore(%arg12 : memref<!tpu.dma_semaphore, #tpu.memory_space<semaphore_mem>>) src(%arg8 : memref<2880xf32, #tpu.memory_space<vmem>>) dst(%dma_wait3A_60 : memref<2880xf32, #tpu.memory_space<hbm>>)
    return
  }
}

module attributes {stable_mosaic.version = 14 : i64} {
  func.func @_tc_mask_body(%arg0: memref<256x360xf32, #tpu.memory_space<vmem>>, %arg1: memref<1x256xi32, #tpu.memory_space<vmem>>, %arg2: memref<256x360xf32, #tpu.memory_space<vmem>>) attributes {dimension_semantics = [], scalar_prefetch = 0 : i64, scratch_operands = 0 : i64, tpu.core_type = #tpu.core_type<tc>} {
    %get3A = arith.constant 0 : index
    %get3A_0 = arith.constant 0 : index
    %get3A_1 = vector.load %arg0[%get3A, %get3A_0] : memref<256x360xf32, #tpu.memory_space<vmem>>, vector<256x360xf32>
    %get3A_2 = arith.constant 0 : index
    %get3A_3 = arith.constant 0 : index
    %get3A_4 = vector.load %arg1[%get3A_2, %get3A_3] : memref<1x256xi32, #tpu.memory_space<vmem>>, vector<1x256xi32>
    %iota3A = tpu.iota {dimensions = array<i32: 0>} : vector<256x256xi32>
    %iota3A_5 = tpu.iota {dimensions = array<i32: 1>} : vector<256x256xi32>
    %gt3A = arith.cmpi sgt, %iota3A_5, %iota3A : vector<256x256xi32>
    %broadcast_in_dim3A = vector.shape_cast %get3A_4 : vector<1x256xi32> to vector<1x256xi32>
    %broadcast_in_dim3A_6 = vector.broadcast %broadcast_in_dim3A : vector<1x256xi32> to vector<256x256xi32>
    %jit3A = arith.constant 6 : i32
    %broadcast_in_dim3A_7 = vector.broadcast %jit3A : i32 to vector<256x256xi32>
    %select_n3A = arith.select %gt3A, %broadcast_in_dim3A_6, %broadcast_in_dim3A_7 : vector<256x256xi1>, vector<256x256xi32>
    %reduce_min3A = arith.constant dense<2147483647> : vector<256xi32>
    %reduce_min3A_8 = vector.multi_reduction <minsi>, %select_n3A, %reduce_min3A [1] : vector<256x256xi32> to vector<256xi32>
    %squeeze3A = vector.shape_cast %get3A_4 : vector<1x256xi32> to vector<256xi32>
    %min3A = arith.minsi %squeeze3A, %reduce_min3A_8 : vector<256xi32>
    %iota3A_9 = tpu.iota {dimensions = array<i32: 1>} : vector<256x360xi32>
    %jit3A_10 = arith.constant 60 : i32
    %div3A = vector.broadcast %jit3A_10 : i32 to vector<256x360xi32>
    %div3A_11 = arith.divsi %iota3A_9, %div3A : vector<256x360xi32>
    %sign3A = arith.constant 0 : i32
    %sign3A_12 = vector.broadcast %sign3A : i32 to vector<256x360xi32>
    %sign3A_13 = arith.cmpi sgt, %iota3A_9, %sign3A_12 : vector<256x360xi32>
    %sign3A_14 = arith.extui %sign3A_13 : vector<256x360xi1> to vector<256x360xi32>
    %sign3A_15 = arith.constant 0 : i32
    %sign3A_16 = vector.broadcast %sign3A_15 : i32 to vector<256x360xi32>
    %sign3A_17 = arith.cmpi slt, %iota3A_9, %sign3A_16 : vector<256x360xi32>
    %sign3A_18 = arith.extui %sign3A_17 : vector<256x360xi1> to vector<256x360xi32>
    %sign3A_19 = arith.subi %sign3A_14, %sign3A_18 : vector<256x360xi32>
    %sign3A_20 = arith.constant 0 : i32
    %sign3A_21 = arith.cmpi sgt, %jit3A_10, %sign3A_20 : i32
    %sign3A_22 = arith.extui %sign3A_21 : i1 to i32
    %sign3A_23 = arith.constant 0 : i32
    %sign3A_24 = arith.cmpi slt, %jit3A_10, %sign3A_23 : i32
    %sign3A_25 = arith.extui %sign3A_24 : i1 to i32
    %sign3A_26 = arith.subi %sign3A_22, %sign3A_25 : i32
    %ne3A = vector.broadcast %sign3A_26 : i32 to vector<256x360xi32>
    %ne3A_27 = arith.cmpi ne, %sign3A_19, %ne3A : vector<256x360xi32>
    %rem3A = vector.broadcast %jit3A_10 : i32 to vector<256x360xi32>
    %rem3A_28 = arith.remsi %iota3A_9, %rem3A : vector<256x360xi32>
    %ne3A_29 = arith.constant 0 : i32
    %ne3A_30 = vector.broadcast %ne3A_29 : i32 to vector<256x360xi32>
    %ne3A_31 = arith.cmpi ne, %rem3A_28, %ne3A_30 : vector<256x360xi32>
    %and3A = arith.andi %ne3A_27, %ne3A_31 : vector<256x360xi1>
    %sub3A = arith.constant 1 : i32
    %sub3A_32 = vector.broadcast %sub3A : i32 to vector<256x360xi32>
    %sub3A_33 = arith.subi %div3A_11, %sub3A_32 : vector<256x360xi32>
    %select_n3A_34 = arith.select %and3A, %sub3A_33, %div3A_11 : vector<256x360xi1>, vector<256x360xi32>
    %broadcast_in_dim3A_35 = vector.shape_cast %min3A : vector<256xi32> to vector<256x1xi32>
    %lt3A = vector.broadcast %broadcast_in_dim3A_35 : vector<256x1xi32> to vector<256x360xi32>
    %lt3A_36 = arith.cmpi slt, %select_n3A_34, %lt3A : vector<256x360xi32>
    %jit3A_37 = arith.constant 0.000000e+00 : f32
    %broadcast_in_dim3A_38 = vector.broadcast %jit3A_37 : f32 to vector<256x360xf32>
    %select_n3A_39 = arith.select %lt3A_36, %get3A_1, %broadcast_in_dim3A_38 : vector<256x360xi1>, vector<256x360xf32>
    %swap3A = arith.constant 0 : index
    %swap3A_40 = arith.constant 0 : index
    %swap3A_41 = vector.load %arg2[%swap3A, %swap3A_40] : memref<256x360xf32, #tpu.memory_space<vmem>>, vector<256x360xf32>
    tpu.vector_store %arg2[%swap3A, %swap3A_40], %select_n3A_39 {strides = array<i32>} : memref<256x360xf32, #tpu.memory_space<vmem>>, vector<256x360xf32>,
    return
  }
}

</mosaic_0001>

<sc_bundles>
// kernel: kernel.4.cloned.1.call-start
scs
__scs_entry_jumppad:
0x0: {  	(pc) =	sbr.rel $0x88, $3  }
0x1: {  	(tag) =	ssettag $0x0;
	lr =	simm.s32 $0x1  }
0x2: {  	[smem:$0x3F9F] =	sst lr;
	_ =	strace $0xD0000000  }
0x3: {  	_ = 	snop  }
0x4: {  	_ = 	snop  }
0x5: {  	_ = 	snop  }
0x6: {  	_ = 	snop  }
0x7: {  	_ = 	snop  }
__scs_overlays_trampoline_lowered:
0x8: {  	[smem:$0x3FAE] =	sst s0  }
0x9: {  	[smem:$0x3FAF] =	sst s1  }
0xa: {  	[smem:$0x3FB0] =	sst s2  }
0xb: {  	[smem:$0x3FB1] =	sst s3  }
0xc: {  	[smem:$0x3FB2] =	sst s4  }
0xd: {  	[smem:$0x3FB3] =	sst s5  }
0xe: {  	[smem:$0x3FB4] =	sst s6  }
0xf: {  	[smem:$0x3FB5] =	sst s7  }
0x10: {  	[smem:$0x3FB6] =	sst s8  }
0x11: {  	[smem:$0x3FB7] =	sst s9;
	s0 =	simm.s32 @!p0 $0x0  }
0x12: {  	s1 =	sld [smem:$0x3F9D];
	s0 =	simm.s32 @p0 $0x1  }
0x13: {  	[smem:$0x3FB8] =	sst s0;
	s0 =	simm.s32 @!p1 $0x0  }
0x14: {  	s2 =	sld [smem:$0x3F9C];
	s0 =	simm.s32 @p1 $0x1  }
0x15: {  	[smem:$0x3FB9] =	sst s0;
	s0 =	simm.s32 @!p2 $0x0  }
0x16: {  	s3 =	sld [smem:$0x3FDB];
	s0 =	simm.s32 @p2 $0x1  }
0x17: {  	s4 =	simm.s32 $0x1BF5;
	[smem:$0x3FBB] =	sst s0  }
0x18: {  	s0 =	sld [smem:$0x3F9E];
	_ =	swait.ge [sflag:s4], $0x0  }
0x19: {  	s7 =	sld [smem:$0x3F9F]  }
0x1a: {  	s8 =	sadd.s32 $0xFFFFE003, lr  }
0x1b: {  	s9 =	sadd.s32 $0xFFFFFEF7, lr;
	s5 =	simm.s32 $0xFFFFFFFF;
	p2 =	slt.u32 s8, $0xFFFFF086  }
0x1c: {  	p1 =	slt.u32 s9, $0xF7A;
	s5 =	simm.s32 @!p2 $0x0  }
0x1d: {  	s5 =	simm.s32 @p1 $0x1;
	p0 =	seq.s32 s7, s2  }
0x1e: {  	s7 =	smul.u32 @!p0 $0xF7A, s2;
	p2 =	seq.s32 @!p0 s5, $0x0  }
0x1f: {  	s9 =	smul.u32 $0xF7A, s1;
	s8 =	simm.s32 @!p0 $0x1BF5;
	p2 =	por !p2, p0  }
0x20: {  	[sflag:s8] =	ssyncset.s32 @!p0 $0xFFFFF086;
	s6 =	sadd.s32 @!p0 s3, s7;
	s7 =	simm.s32 @!p0 $0x108  }
0x21: {  	s3 =	sadd.s32 s3, s9;
	s6 =	sadd.s32 @!p0 $0x88, s6;
	s7 =	simm.s32 @p2 $0x1082  }
0x22: {  	[simem:s7], [sflag:s8] =	dma.local @!p0 [hbm:s6], $0xF7A  }
0x23: {  	s9 =	sor.u32 $0xD0000000, s2;
	s6 =	simm.s32 $0x108;
	_ =	swait.ge @!p0 [sflag:s8], $0x0  }
0x24: {  	s3 =	sadd.s32 $0x88, s3;
	s6 =	simm.s32 @!p1 $0x1082;
	[sflag:s4] =	ssyncset.s32 $0xFFFFF086  }
0x25: {  	[simem:s6], [sflag:s4] =	dma.local [hbm:s3], $0xF7A  }
0x26: {  	[smem:$0x3F9F] =	sst s1;
	(tag) =	ssettag s2;
	_ =	strace s9  }
0x27: {  	s1 =	sld [smem:$0x3FAF]  }
0x28: {  	s2 =	sld [smem:$0x3FB0]  }
0x29: {  	s4 =	sld [smem:$0x3FB2]  }
0x2a: {  	p0 =	seq.s32 s5, $0x0;
	s5 =	sld [smem:$0x3FB3]  }
0x2b: {  	s6 =	sld [smem:$0x3FB4]  }
0x2c: {  	s7 =	sld [smem:$0x3FB5]  }
0x2d: {  	s3 =	simm.s32 $0x108;
	s8 =	sld [smem:$0x3FB6]  }
0x2e: {  	s3 =	simm.s32 @!p0 $0x1082;
	s9 =	sld [smem:$0x3FB7]  }
0x2f: {  	lr =	sadd.s32 s0, s3;
	s0 =	sld [smem:$0x3FAE]  }
0x30: {  	s3 =	sld [smem:$0x3FB1]  }
0x31: {  	[smem:$0x3FBA] =	sst s10  }
0x32: {  	s10 =	sld [smem:$0x3FB8];
	_ =	sdelay $0x3  }
0x33: {  	p0 =	seq.s32 s10, $0x1;
	s10 =	sld [smem:$0x3FBA];
	_ =	sdelay $0x3  }
0x34: {  	[smem:$0x3FBA] =	sst s10  }
0x35: {  	s10 =	sld [smem:$0x3FB9];
	_ =	sdelay $0x3  }
0x36: {  	p1 =	seq.s32 s10, $0x1;
	s10 =	sld [smem:$0x3FBA];
	_ =	sdelay $0x3  }
0x37: {  	[smem:$0x3FBA] =	sst s10  }
0x38: {  	s10 =	sld [smem:$0x3FBB]  }
0x39: {  	_ = 	snop;
	(pc) =	sbr.ind lr, $3  }
0x3a: {  	_ = 	snop  }
0x3b: {  	_ = 	snop  }
0x3c: {  	p2 =	seq.s32 s10, $0x1;
	s10 =	sld [smem:$0x3FBA]  }
0x3d: {  	_ =	shalt  }
0x3e: {  	_ =	shalt  }
0x3f: {  	_ =	shalt  }
0x40: {  	_ =	shalt  }
0x41: {  	_ =	shalt  }
0x42: {  	_ =	shalt  }
0x43: {  	_ =	shalt  }
0x44: {  	_ =	shalt  }
0x45: {  	_ =	shalt  }
0x46: {  	_ =	shalt  }
0x47: {  	_ =	shalt  }
0x48: {  	_ =	shalt  }
0x49: {  	_ =	shalt  }
0x4a: {  	_ =	shalt  }
0x4b: {  	_ =	shalt  }
0x4c: {  	_ =	shalt  }
0x4d: {  	_ =	shalt  }
0x4e: {  	_ =	shalt  }
0x4f: {  	_ =	shalt  }
0x50: {  	_ =	shalt  }
0x51: {  	_ =	shalt  }
0x52: {  	_ =	shalt  }
0x53: {  	_ =	shalt  }
0x54: {  	_ =	shalt  }
0x55: {  	_ =	shalt  }
0x56: {  	_ =	shalt  }
0x57: {  	_ =	shalt  }
0x58: {  	_ =	shalt  }
0x59: {  	_ =	shalt  }
0x5a: {  	_ =	shalt  }
0x5b: {  	_ =	shalt  }
0x5c: {  	_ =	shalt  }
0x5d: {  	_ =	shalt  }
0x5e: {  	_ =	shalt  }
0x5f: {  	_ =	shalt  }
0x60: {  	_ =	shalt  }
0x61: {  	_ =	shalt  }
0x62: {  	_ =	shalt  }
0x63: {  	_ =	shalt  }
0x64: {  	_ =	shalt  }
0x65: {  	_ =	shalt  }
0x66: {  	_ =	shalt  }
0x67: {  	_ =	shalt  }
0x68: {  	_ =	shalt  }
0x69: {  	_ =	shalt  }
0x6a: {  	_ =	shalt  }
0x6b: {  	_ =	shalt  }
0x6c: {  	_ =	shalt  }
0x6d: {  	_ =	shalt  }
0x6e: {  	_ =	shalt  }
0x6f: {  	_ =	shalt  }
0x70: {  	_ =	shalt  }
0x71: {  	_ =	shalt  }
0x72: {  	_ =	shalt  }
0x73: {  	_ =	shalt  }
0x74: {  	_ =	shalt  }
0x75: {  	_ =	shalt  }
0x76: {  	_ =	shalt  }
0x77: {  	_ =	shalt  }
0x78: {  	_ =	shalt  }
0x79: {  	_ =	shalt  }
0x7a: {  	_ =	shalt  }
0x7b: {  	_ =	shalt  }
0x7c: {  	_ =	shalt  }
0x7d: {  	_ =	shalt  }
0x7e: {  	_ =	shalt  }
0x7f: {  	_ =	shalt  }
0x80: {  	_ =	shalt  }
0x81: {  	_ =	shalt  }
0x82: {  	_ =	shalt  }
0x83: {  	_ =	shalt  }
0x84: {  	_ =	shalt  }
0x85: {  	_ =	shalt  }
0x86: {  	_ =	shalt  }
0x87: {  	_ =	shalt  }
.Lfunc_end0:
.L_simem_size_0:
called_computation_lowered:
.L_overlay_start_0:
0x88: {  	s2 =	sld [smem:$0x3FD9]  }
0x89: {  	s3 =	sld [smem:$0x3FFE];
	_ =	sdelay $0x1  }
0x8a: {  	s1 =	srdreg.scid  }
0x8b: {  	s0 =	sand.u32 $0x1, s1  }
0x8c: {  	s17 =	sshll.u32 s0, $0xA;
	s2 =	sadd.s32 s3, s2  }
0x8d: {  	s2 =	sadd.s32 s2, s17  }
0x8e: {  	[smem:$0x3FC6] =	sst s2  }
0x8f: {  	_ = 	snop  }
0x90: {  	s2 =	sld [smem:$0x3FD0];
	(tm) =	ssettm $0x1  }
0x91: {  	s18 =	sld [smem:$0x3FFB];
	_ =	sdelay $0x3  }
0x92: {  	_ =	strace s18  }
0x93: {  	s3 =	sld [smem:$0x3FFC];
	_ =	sdelay $0x3  }
0x94: {  	_ =	strace s3  }
0x95: {  	s3 =	sld [smem:$0x3FFD];
	_ =	sdelay $0x3  }
0x96: {  	_ =	strace s3  }
0x97: {  	_ =	strace $0x8FFFFFFF  }
0x98: {  	s19 =	sld [smem:$0x3FDB];
	_ =	sdelay $0x1  }
0x99: {  	s4 =	simm.s32 $_scs_section_size  }
0x9a: {  	s5 =	simm.s32 $_size__tile_overlayer_lowered;
	s6 =	simm.s32 $_tile_overlayer_lowered  }
0x9b: {  	s22 =	simm.s32 $0x1BFF;
	s21 =	sshll.u32 s6, $0x1;
	s3 =	sadd.s32 s4, s19  }
0x9c: {  	s7 =	simm.s32 $0x0;
	s20 =	sshll.u32 s5, $0x1;
	s5 =	sadd.s32 s21, s3  }
0x9d: {  	[timem:s7], [sflag:s22] =	dma.local [hbm:s5], s20  }
0x9e: {  	_ =	swait.ge [sflag:s22], s20  }
0x9f: {  	s4 =	ssub.s32 $0x0, s20;
	[sflag:s22] =	ssyncset.done $0x0  }
0xa0: {  	[sflag:s22] =	ssyncadd.s32 s4;
	_ =	sdelay $0x1  }
0xa1: {  	s23 =	simm.s32 $0x1B8B  }
0xa2: {  	_ =	swait.ge [sflag:s23], $0x1  }
0xa3: {  	[sflag:s23] =	ssyncset.done $0x0  }
0xa4: {  	s25 =	simm.s32 $0x1B8E;
	s24 =	sld [smem:$0x3FFE];
	[sflag:s23] =	ssyncadd.s32 $0xFFFFFFFF  }
0xa5: {  	s26 =	simm.s32 $execute0_lowered;
	[smem:$0x3FD2] =	sst s25  }
0xa6: {  	s5 =	sshll.u32 s26, $0x1;
	_ =	strace $0x80000046;
	[dreg:$0x1] =	wrdreg $0xFFFFFFFF  }
0xa7: {  	s28 =	simm.s32 $_size_execute0_lowered;
	s3 =	sadd.s32 s3, s5;
	[dreg:$0x0] =	wrdreg $0x0  }
0xa8: {  	s5 =	sshll.u32 s28, $0x1;
	[dreg:$0x2] =	wrdreg s3  }
0xa9: {  	[dreg:$0x3] =	wrdreg s5  }
0xaa: {  	[dreg:$0x4] =	wrdreg $0xC0  }
0xab: {  	_ =	task [dreg:s7], $0x5FFFF  }
0xac: {  	[dreg:$0x1] =	wrdreg $0xFFFFFFFF  }
0xad: {  	[dreg:$0x0] =	wrdreg $0x60  }
0xae: {  	[dreg:$0x2] =	wrdreg s24  }
0xaf: {  	[dreg:$0x3] =	wrdreg s2  }
0xb0: {  	[dreg:$0x4] =	wrdreg $0x9  }
0xb1: {  	_ =	task.clear_ibuf [dreg:s7], $0x5FFFF;
	_ =	strace $0x90000046  }
0xb2: {  	s29 =	simm.s32 $0x9;
	_ =	strace $0x80000048  }
0xb3: {  	_ =	swait.ge [sflag:s29], $0x1  }
0xb4: {  	[sflag:s29] =	ssyncadd.s32 $0xFFFFFFFF  }
0xb5: {  	_ =	strace $0x90000048  }
0xb6: {  	_ =	sfence  }
0xb7: {  	s30 =	sld [smem:$0x0];
	_ =	sdelay $0x2  }
0xb8: {  	s31 =	sshll.u32 s1, $0xD;
	s1 =	sshrl.u32 s1, $0x2  }
0xb9: {  	s3 =	sand.u32 $0x4000, s31;
	s1 =	sadd.s32 s1, s30  }
0xba: {  	s0 =	sor.u32 s3, s0;
	s1 =	sshll.u32 s1, $0x11  }
0xbb: {  	s0 =	sor.u32 s1, s0  }
0xbc: {  	s0 =	sadd.s32 $0x8F2B, s0  }
0xbd: {  	[sflag:s0] =	ssyncadd.remote.s32 $0x1  }
0xbe: {  	_ =	sfence.sel $0xFFFF  }
0xbf: {  	[dreg:$0x0] =	wrdreg $0xFFFFFFFF;
	(pc) =	sbr.abs _section_cstart, $3  }
0xc0: {  	[dreg:$0x1] =	wrdreg $0xFFFFFFFF  }
0xc1: {  	_ =	task.clear_ibuf [dreg:s7], $0x2FFFF;
	_ =	strace $0x9FFFFFFF  }
0xc2: {  	(tm) =	ssettm $0x7FFFFFFF  }
0xc3: {  	_ =	shalt  }
tec
execute0_lowered:
.L_overlay_start_1:
0x0: {  	(tag) =	ssettag $0x1  }
0x1: {  	s1 =	srdreg.scid;
	s4 =	rddreg [dreg:$0x0]  }
0x2: {  	s0 =	stileid.u32;
	s6 =	rddreg [dreg:$0x1]  }
0x3: {  	s2 =	simm.s32 $0x0;
	s3 =	sand.u32 $0x1, s1;
	s31 =	sshll.u32 s0, $0x1  }
0x4: {  	s12 =	simm.s32 $0x1;
	s13 =	simm.s32 $0x6000;
	s5 =	sor.u32 s3, s31  }
0x5: {  	s14 =	simm.s32 $0x6B80;
	s15 =	simm.s32 $0x0;
	s7 =	smul.u32 $0x5DC0, s5  }
0x6: {  	s1 =	rddreg [dreg:$0x2];
	s3 =	ssub.s32 $0x2, s3;
	s8 =	smul.u32 $0x32, s5  }
0x7: {  	[smem:$0x7FF] =	sst s2;
	s9 =	sshrl.u32 s3, $0x1;
	s10 =	smul.u32 $0x168, s5  }
0x8: {  	_ =	strace $0x80000047;
	s11 =	sadd.s32 s5, s4;
	s9 =	ssub.s32 s3, s9  }
0x9: {  	s7 =	sshrl.u32 s7, $0x3;
	s8 =	sadd.s32 s8, s4;
	s6 =	sadd.s32 s6, s10  }
0xa: {  	vm0 =	vmmov $0x3;
	v0 =	vlaneseq.u32;
	s10 =	simm.s32 $0x5E00;
	s7 =	sadd.s32 s7, s4;
	s5 =	sadd.s32 $0x18400, s8  }
0xb: {  	vm1 =	vcmask $0x3F38;
	vm2 =	vmxor vm2, vm2;
	v1 =	vor.u32 $0x10, v0;
	s8 =	smax.u32 s9, $0x1;
	s9 =	simm.s32 $0x1770;
	s3 =	sadd.s32 $0xC00, s7  }
0xc: {  	v2 =	vor.u32 $0x20, v0;
	v3 =	vor.u32 $0x30, v0;
	v4 =	vmul.u32 $0x2, v0;
	s4 =	sadd.s32 $0xEEE, s7;
	s7 =	sadd.s32 $0x18C00, s11;
	s11 =	simm.s32 $0x3  }
.LBB2_1:
0xd: {  	[tilespmem:s2], [sflag:$0x1] =	stream.linear.gather [hbm4b:s3+s2], $0x1770, $0x38;
	[tilespmem:$0x6E00] =	vst v63  }
0xe: {  	_ = 	snop  }
0xf: {  	[tilespmem:s9], [sflag:$0x2] =	stream.linear.gather [hbm4b:s4+s2], $0x4650, $0x38;
	[tilespmem:$0x6E00] =	vst v63  }
0x10: {  	_ = 	snop  }
0x11: {  	[tilespmem:s10], [sflag:$0x3] =	stream.linear.gather [hbm4b:s5+s2], $0x190, $0x38;
	[tilespmem:$0x6E00] =	vst v63  }
0x12: {  	_ =	swait.ge [sflag:s11], $0x190  }
0x13: {  	[sflag:s11] =	ssyncset.done $0x0  }
0x14: {  	[sflag:s11] =	ssyncadd.s32 $0xFFFFFE70  }
0x15: {  	_ =	swait.ge [sflag:s12], $0x1770  }
0x16: {  	[sflag:s12] =	ssyncset.done $0x0  }
0x17: {  	p1 =	por $0x1, $0x1;
	v5 =	vimm.s32 $0x0;
	s16 =	simm.s32 $0x0;
	[sflag:s12] =	ssyncadd.s32 $0xFFFFE890  }
.LBB2_2:
0x18: {  	s17 =	smul.u32 $0xC8, s16;
	_ =	sdelay $0x1  }
0x19: {  	s17 =	sshra.s32 s17, $0x2  }
0x1a: {  	v6 =	vld [tilespmem:s17+$0x5E00]  }
0x1b: {  	v7 =	vld [tilespmem:s17+$0x5E10]  }
0x1c: {  	v8 =	vld [tilespmem:s17+$0x5E30]  }
0x1d: {  	v9 =	vld [tilespmem:s17+$0x5E20];
	_ =	sdelay $0x3  }
0x1e: {  	v10 =	vnsel vm0, $0xFF800000, v8  }
0x1f: {  	v8 =	vmax.f32 v6, v7;
	v11 =	vmax.f32 v9, v10  }
0x20: {  	v8 =	vmax.f32 v8, v11  }
0x21: {  	(xrf0) =	vmax.scan.msk.f32 $0xffff, v8;
	_ =	sdelay $0x5  }
0x22: {  	v8, _, _ =	vpop (xrf0)  }
0x23: {  	v8 =	vbroadcast v8, $0xF;
	_ =	sdelay $0x1  }
0x24: {  	vm3 =	veq.f32 v6, v8  }
0x25: {  	vm4 =	veq.f32 v7, v8;
	vm5 =	veq.f32 v9, v8;
	v11 =	vmctz.xlane vm3  }
0x26: {  	vm6 =	veq.f32 v10, v8;
	v8 =	vmctz.xlane vm4;
	v12 =	vmctz.xlane vm5  }
0x27: {  	v13 =	vmctz.xlane vm6;
	v14 =	vmpcnt.ones.xlane vm5  }
0x28: {  	v15 =	vmpcnt.ones.xlane vm3;
	v16 =	vmpcnt.ones.xlane vm4  }
0x29: {  	vm3 =	vgt.s32 v14, $0x0;
	v12 =	vadd.s32 $0x20, v12;
	v13 =	vadd.s32 $0x30, v13  }
0x2a: {  	vm4 =	vgt.s32 v16, $0x0;
	v8 =	vadd.s32 $0x10, v8;
	v12 =	vsel vm3, v12, v13  }
0x2b: {  	vm3 =	vgt.s32 v15, $0x0;
	v8 =	vsel vm4, v8, v12  }
0x2c: {  	v8 =	vsel vm3, v11, v8  }
0x2d: {  	(v2sf) =	vpush v8, $0x0;
	_ =	sdelay $0xe  }
0x2e: {  	s19 =	smul.u32 $0xBB8, s16;
	s29 =	spop (v2sf)  }
0x2f: {  	s17 =	smul.u32 $0x3C, s29;
	_ =	sdelay $0x1  }
0x30: {  	s18 =	sadd.s32 s19, s17  }
0x31: {  	v11 =	vadd.s32 s18, v4;
	s17 =	sadd.s32 $0x20, s18  }
0x32: {  	s30 =	sor.u32 $0x1, s18;
	v61 =	vadd.s32 s17, v4  }
0x33: {  	s31 =	sadd.s32 $0x21, s18;
	v62 =	vadd.s32 s30, v4  }
0x34: {  	v63 =	vadd.s32 s31, v4;
	_ =	sdelay $0x1  }
0x35: {  	v11 =	vld.idx.msk [tilespmem:v11+s2+$0x0], $0xffff  }
0x36: {  	[smem:$0x1] =	sst s2;
	v12 =	vld.idx.msk [tilespmem:v61+s2+$0x0], $0xffff  }
0x37: {  	[smem:$0x2] =	sst s2;
	v13 =	vld.idx.msk [tilespmem:v62+s2+$0x0], $0xffff  }
0x38: {  	[smem:$0x3] =	sst s2;
	v14 =	vld.idx.msk [tilespmem:v63+s2+$0x0], $0xffff  }
0x39: {  	[smem:$0x4] =	sst s2  }
0x3a: {  	[smem:$0x5] =	sst s2;
	[tilespmem:$0x6C00] =	vst v11  }
0x3b: {  	[smem:$0x6] =	sst s2;
	vm3 =	veq.s32 v8, v0;
	vm14 =	veq.s32 v8, v2;
	[tilespmem:$0x6C10] =	vst v12  }
0x3c: {  	p0 =	por p1, p1;
	[smem:$0x7] =	sst s2;
	vm15 =	veq.s32 v8, v3;
	v6 =	vsel vm3, $0xFF800000, v6;
	vm3 =	veq.s32 v8, v1;
	[tilespmem:$0x6C20] =	vst v13  }
0x3d: {  	s20 =	simm.s32 $0x1;
	v8 =	vsel vm14, $0xFF800000, v9;
	v9 =	vsel vm15, $0xFF800000, v10;
	v7 =	vsel vm3, $0xFF800000, v7;
	[smem:$0x0] =	sst s18;
	s17 =	simm.s32 $0x1;
	[tilespmem:$0x6C30] =	vst v14  }
.LBB2_3:
0x3e: {  	v10 =	vmax.f32 v6, v7;
	v11 =	vmax.f32 v8, v9  }
0x3f: {  	v10 =	vmax.f32 v10, v11  }
0x40: {  	(xrf0) =	vmax.scan.msk.f32 $0xffff, v10;
	_ =	sdelay $0x5  }
0x41: {  	v10, _, _ =	vpop (xrf0)  }
0x42: {  	v10 =	vbroadcast v10, $0xF;
	_ =	sdelay $0x1  }
0x43: {  	vm3 =	veq.f32 v6, v10  }
0x44: {  	vm4 =	veq.f32 v7, v10;
	vm5 =	veq.f32 v8, v10;
	v11 =	vmctz.xlane vm3  }
0x45: {  	vm6 =	veq.f32 v9, v10;
	v10 =	vmctz.xlane vm4;
	v12 =	vmctz.xlane vm5  }
0x46: {  	v13 =	vmctz.xlane vm6;
	v14 =	vmpcnt.ones.xlane vm5  }
0x47: {  	v15 =	vmpcnt.ones.xlane vm3;
	v16 =	vmpcnt.ones.xlane vm4  }
0x48: {  	vm3 =	vgt.s32 v14, $0x0;
	v12 =	vadd.s32 $0x20, v12;
	v13 =	vadd.s32 $0x30, v13  }
0x49: {  	vm4 =	vgt.s32 v16, $0x0;
	v10 =	vadd.s32 $0x10, v10;
	v12 =	vsel vm3, v12, v13  }
0x4a: {  	vm3 =	vgt.s32 v15, $0x0;
	v10 =	vsel vm4, v10, v12  }
0x4b: {  	v10 =	vsel vm3, v11, v10  }
0x4c: {  	(v2sf) =	vpush v10, $0x0;
	_ =	sdelay $0xe  }
0x4d: {  	s21 =	spop (v2sf)  }
0x4e: {  	v34 =	vld [tilespmem:$0x6C00];
	s21 =	smul.u32 $0x3C, s21  }
0x4f: {  	v35 =	vld [tilespmem:$0x6C10]  }
0x50: {  	v17 =	vld [tilespmem:$0x6C20];
	s21 =	sadd.s32 s19, s21  }
0x51: {  	v18 =	vld [tilespmem:$0x6C30];
	v11 =	vadd.s32 s21, v4;
	s22 =	sadd.s32 $0x20, s21  }
0x52: {  	v19 =	vld [tilespmem:$0x6C40];
	s29 =	sor.u32 $0x1, s21;
	v28 =	vadd.s32 s22, v4  }
0x53: {  	v20 =	vld [tilespmem:$0x6C50];
	s30 =	sadd.s32 $0x21, s21;
	v29 =	vadd.s32 s29, v4  }
0x54: {  	v23 =	vld [tilespmem:$0x6C80];
	v30 =	vadd.s32 s30, v4  }
0x55: {  	v25 =	vld [tilespmem:$0x6CC0]  }
0x56: {  	v31 =	vld.idx.msk [tilespmem:v11+s2+$0x0], $0xffff  }
0x57: {  	v32 =	vld.idx.msk [tilespmem:v28+s2+$0x0], $0xffff  }
0x58: {  	v33 =	vld.idx.msk [tilespmem:v29+s2+$0x0], $0xffff  }
0x59: {  	v11 =	vld.idx.msk [tilespmem:v30+s2+$0x0], $0xffff  }
0x5a: {  	v21 =	vld [tilespmem:$0x6C60]  }
0x5b: {  	v22 =	vld [tilespmem:$0x6C70];
	vm6 =	vmmov vm2;
	v15 =	vsub.f32 v31, v34  }
0x5c: {  	v26 =	vld [tilespmem:$0x6D30];
	p1 =	sgt.u32 s17, $0x1;
	vm5 =	vmmov vm2;
	v39 =	vsub.f32 v31, v19;
	v23 =	vsub.f32 v31, v23  }
0x5d: {  	v44 =	vld [tilespmem:$0x6CE0];
	vm6 =	vmneg @p1 vm6;
	p1 =	sgt.u32 s17, $0x2;
	v53 =	vsub.f32 v31, v25;
	v17 =	vsub.f32 v33, v17  }
0x5e: {  	vm5 =	vmneg @p1 vm5;
	v16 =	vsub.f32 v32, v35;
	v18 =	vsub.f32 v11, v18  }
0x5f: {  	v36 =	vld [tilespmem:$0x6C90];
	v40 =	vsub.f32 v33, v21;
	v20 =	vsub.f32 v32, v20;
	v15 =	vmul.f32 v15, v15  }
0x60: {  	v37 =	vld [tilespmem:$0x6CB0];
	v22 =	vsub.f32 v11, v22;
	v43 =	vmul.f32 v23, v23;
	v55 =	vmul.f32 v53, v53  }
0x61: {  	v57 =	vsub.f32 v11, v26;
	v17 =	vmul.f32 v17, v17;
	v16 =	vmul.f32 v16, v16  }
0x62: {  	v38 =	vld [tilespmem:$0x6CA0];
	v23 =	vsub.f32 v33, v44;
	v18 =	vmul.f32 v18, v18;
	v19 =	vmul.f32 v40, v40  }
0x63: {  	v20 =	vmul.f32 v20, v20;
	v22 =	vmul.f32 v22, v22;
	v15 =	vadd.f32 v17, v15  }
0x64: {  	v58 =	vmul.f32 v57, v57;
	v16 =	vadd.f32 v18, v16;
	v17 =	vsub.f32 v32, v36  }
0x65: {  	v42 =	vld [tilespmem:$0x6CD0];
	v56 =	vmul.f32 v23, v23;
	v18 =	vsub.f32 v11, v37;
	v20 =	vadd.f32 v22, v20  }
0x66: {  	v45 =	vld [tilespmem:$0x6CF0];
	vm3 =	vlt.f32 v15, $2.000000030e-01;
	vm10 =	vlt.f32 v16, $2.000000030e-01;
	v16 =	vmul.f32 v39, v39  }
0x67: {  	v15 =	vsub.f32 v33, v38;
	v17 =	vmul.f32 v17, v17;
	v18 =	vmul.f32 v18, v18  }
0x68: {  	v46 =	vld [tilespmem:$0x6D00];
	vm11 =	vlt.f32 v20, $2.000000030e-01;
	vm4 =	vmor vm10, vm1;
	v41 =	vmpcnt.ones.xlane vm3  }
0x69: {  	v48 =	vld [tilespmem:$0x6D10];
	v24 =	vmpcnt.ones.xlane vm4;
	v16 =	vadd.f32 v19, v16;
	v15 =	vmul.f32 v15, v15  }
0x6a: {  	v17 =	vadd.f32 v18, v17;
	vm4 =	vmor vm11, vm1;
	v19 =	vsub.f32 v32, v42  }
0x6b: {  	v50 =	vld [tilespmem:$0x6D20];
	v18 =	vsub.f32 v11, v45;
	v49 =	vmpcnt.ones.xlane vm4;
	v21 =	vadd.s32 v41, v24  }
0x6c: {  	vm3 =	vlt.f32 v16, $2.000000030e-01;
	v15 =	vadd.f32 v15, v43;
	v19 =	vmul.f32 v19, v19  }
0x6d: {  	v16 =	vsub.f32 v31, v46;
	v18 =	vmul.f32 v18, v18;
	v47 =	vmpcnt.ones.xlane vm3  }
0x6e: {  	vm3 =	vlt.f32 v17, $2.000000030e-01;
	vm13 =	veq.s32 v21, $0x20;
	v17 =	vsub.f32 v32, v48  }
0x6f: {  	v21 =	vadd.f32 v56, v55;
	vm12 =	vlt.f32 v15, $2.000000030e-01;
	vm3 =	vmor vm3, vm1  }
0x70: {  	v15 =	vsub.f32 v33, v50;
	v16 =	vmul.f32 v16, v16;
	v18 =	vadd.f32 v18, v19  }
0x71: {  	v51 =	vmpcnt.ones.xlane vm12;
	v52 =	vmpcnt.ones.xlane vm3;
	v20 =	vadd.s32 v47, v49  }
0x72: {  	v17 =	vmul.f32 v17, v17;
	vm15 =	vlt.f32 v21, $2.000000030e-01;
	vm3 =	veq.s32 v20, $0x20  }
0x73: {  	v15 =	vmul.f32 v15, v15;
	vm7 =	vlt.f32 v18, $2.000000030e-01;
	v60 =	vmpcnt.ones.xlane vm15  }
0x74: {  	v54 =	vadd.s32 v51, v52;
	vm3 =	vmand vm6, vm3;
	v59 =	vadd.f32 v58, v17  }
0x75: {  	vm7 =	vmor vm7, vm1;
	vm14 =	veq.s32 v54, $0x20;
	v15 =	vadd.f32 v15, v16  }
0x76: {  	vm3 =	vmor vm13, vm3;
	v61 =	vmpcnt.ones.xlane vm7;
	vm9 =	vlt.f32 v59, $2.000000030e-01  }
0x77: {  	vm4 =	vmand vm5, vm14;
	vm10 =	vlt.f32 v15, $2.000000030e-01;
	vm6 =	vmor vm9, vm1  }
0x78: {  	v16 =	vadd.s32 v60, v61;
	v15 =	vmpcnt.ones.xlane vm10;
	v62 =	vmpcnt.ones.xlane vm6  }
0x79: {  	p1 =	sgt.u32 s17, $0x3;
	vm3 =	vmor vm3, vm4;
	vm4 =	vmmov vm2;
	vm11 =	veq.s32 v16, $0x20  }
0x7a: {  	vm4 =	vmneg @p1 vm4;
	p1 =	sgt.u32 s17, $0x4;
	vm6 =	vmmov vm2;
	v15 =	vadd.s32 v15, v62  }
0x7b: {  	vm4 =	vmand vm4, vm11;
	vm6 =	vmneg @p1 vm6;
	vm12 =	veq.s32 v15, $0x20  }
0x7c: {  	vm3 =	vmor vm3, vm4;
	vm13 =	vmand vm6, vm12  }
0x7d: {  	vm3 =	vmor vm3, vm13  }
0x7e: {  	v63 =	vmpcnt.ones.xlane vm3;
	_ =	sdelay $0x1  }
0x7f: {  	(v2sf) =	vpush v63, $0x0;
	_ =	sdelay $0xe  }
0x80: {  	s31 =	spop (v2sf)  }
0x81: {  	s23 =	simm.s32 $0x1;
	p1 =	seq.s32 s31, $0x0  }
0x82: {  	s24 =	smov.u32 s17;
	s23 =	simm.s32 @!p1 $0x0  }
0x83: {  	p2 =	sgt.u32 s20, $0x30;
	s22 =	sshll.u32 s17, $0x6;
	s17 =	sadd.s32 s23, s17  }
0x84: {  	p3 =	slt.u32 @!p2 s17, $0x6  }
0x85: {  	s22 =	simm.s32 @!p1 $0x180;
	s24 =	simm.s32 @!p1 $0x7;
	p1 =	por p2, !p3  }
.Ltmp0:
0x86: {  	_ = 	snop;
	(pc) =	sbr.rel @!p1 .LBB2_3-.Ltmp0, $4  }
0x87: {  	[tilespmem:s22+$0x6C00] =	vst v31  }
0x88: {  	vm15 =	veq.s32 v10, v3;
	vm3 =	veq.s32 v10, v0;
	[tilespmem:s22+$0x6C10] =	vst v32  }
0x89: {  	vm14 =	veq.s32 v10, v2;
	v6 =	vsel vm3, $0xFF800000, v6;
	vm3 =	veq.s32 v10, v1;
	[tilespmem:s22+$0x6C20] =	vst v33  }
0x8a: {  	s20 =	sadd.s32 $0x1, s20;
	v9 =	vsel vm15, $0xFF800000, v9;
	v8 =	vsel vm14, $0xFF800000, v8;
	v7 =	vsel vm3, $0xFF800000, v7;
	[tilespmem:s22+$0x6C30] =	vst v11;
	[smem:s24] =	sst s21  }
0x8b: {  	v6 =	vld [tilespmem:s18+$0x0];
	_ =	sdelay $0x2  }
0x8c: {  	s19 =	smul.u32 $0x168, s16;
	_ =	sdelay $0x1  }
0x8d: {  	[tilespmem:s19+$0x6000] =	vst v6  }
0x8e: {  	v6 =	vld [tilespmem:s18+$0x10];
	_ =	sdelay $0x4  }
0x8f: {  	[tilespmem:s19+$0x6010] =	vst v6  }
0x90: {  	v6 =	vld [tilespmem:s18+$0x20];
	_ =	sdelay $0x4  }
0x91: {  	[tilespmem:s19+$0x6020] =	vst v6  }
0x92: {  	v6 =	vld [tilespmem:s18+$0x2C];
	_ =	sdelay $0x2  }
0x93: {  	s26 =	sld [smem:$0x1];
	_ =	sdelay $0x1  }
0x94: {  	[tilespmem:s19+$0x602C] =	vst v6  }
0x95: {  	v6 =	vld [tilespmem:s26+$0x0];
	_ =	sdelay $0x3  }
0x96: {  	p1 =	sgt.u32 s17, $0x1  }
0x97: {  	v6 =	vpsel !p1, $0x0, v6  }
0x98: {  	[tilespmem:s19+$0x603C] =	vst v6  }
0x99: {  	v6 =	vld [tilespmem:s26+$0x10];
	_ =	sdelay $0x4  }
0x9a: {  	v6 =	vpsel !p1, $0x0, v6  }
0x9b: {  	[tilespmem:s19+$0x604C] =	vst v6  }
0x9c: {  	v6 =	vld [tilespmem:s26+$0x20];
	_ =	sdelay $0x4  }
0x9d: {  	v6 =	vpsel !p1, $0x0, v6  }
0x9e: {  	[tilespmem:s19+$0x605C] =	vst v6  }
0x9f: {  	v6 =	vld [tilespmem:s26+$0x2C];
	_ =	sdelay $0x3  }
0xa0: {  	s28 =	sld [smem:$0x2]  }
0xa1: {  	v6 =	vpsel !p1, $0x0, v6  }
0xa2: {  	[tilespmem:s19+$0x6068] =	vst v6  }
0xa3: {  	v6 =	vld [tilespmem:s28+$0x0];
	_ =	sdelay $0x3  }
0xa4: {  	p3 =	sgt.u32 s17, $0x2  }
0xa5: {  	v6 =	vpsel !p3, $0x0, v6  }
0xa6: {  	[tilespmem:s19+$0x6078] =	vst v6  }
0xa7: {  	v6 =	vld [tilespmem:s28+$0x10];
	_ =	sdelay $0x4  }
0xa8: {  	v6 =	vpsel !p3, $0x0, v6  }
0xa9: {  	[tilespmem:s19+$0x6088] =	vst v6  }
0xaa: {  	v6 =	vld [tilespmem:s28+$0x20];
	_ =	sdelay $0x4  }
0xab: {  	v6 =	vpsel !p3, $0x0, v6  }
0xac: {  	[tilespmem:s19+$0x6098] =	vst v6  }
0xad: {  	v6 =	vld [tilespmem:s28+$0x2C];
	_ =	sdelay $0x3  }
0xae: {  	s29 =	sld [smem:$0x3]  }
0xaf: {  	v6 =	vpsel !p3, $0x0, v6  }
0xb0: {  	[tilespmem:s19+$0x60A4] =	vst v6  }
0xb1: {  	v6 =	vld [tilespmem:s29+$0x0];
	_ =	sdelay $0x3  }
0xb2: {  	p4 =	sgt.u32 s17, $0x3  }
0xb3: {  	v6 =	vpsel !p4, $0x0, v6  }
0xb4: {  	[tilespmem:s19+$0x60B4] =	vst v6  }
0xb5: {  	v6 =	vld [tilespmem:s29+$0x10];
	_ =	sdelay $0x4  }
0xb6: {  	v6 =	vpsel !p4, $0x0, v6  }
0xb7: {  	[tilespmem:s19+$0x60C4] =	vst v6  }
0xb8: {  	v6 =	vld [tilespmem:s29+$0x20];
	_ =	sdelay $0x4  }
0xb9: {  	v6 =	vpsel !p4, $0x0, v6  }
0xba: {  	[tilespmem:s19+$0x60D4] =	vst v6  }
0xbb: {  	v6 =	vld [tilespmem:s29+$0x2C];
	_ =	sdelay $0x3  }
0xbc: {  	s30 =	sld [smem:$0x4]  }
0xbd: {  	v6 =	vpsel !p4, $0x0, v6  }
0xbe: {  	[tilespmem:s19+$0x60E0] =	vst v6  }
0xbf: {  	v6 =	vld [tilespmem:s30+$0x0];
	_ =	sdelay $0x3  }
0xc0: {  	p5 =	sgt.u32 s17, $0x4  }
0xc1: {  	v6 =	vpsel !p5, $0x0, v6  }
0xc2: {  	[tilespmem:s19+$0x60F0] =	vst v6  }
0xc3: {  	v6 =	vld [tilespmem:s30+$0x10];
	_ =	sdelay $0x4  }
0xc4: {  	s20 =	sand.u32 $0x1F8, s19;
	v6 =	vpsel !p5, $0x0, v6  }
0xc5: {  	[tilespmem:s20+$0x6100] =	vst v6  }
0xc6: {  	v6 =	vld [tilespmem:s30+$0x20];
	_ =	sdelay $0x4  }
0xc7: {  	v6 =	vpsel !p5, $0x0, v6  }
0xc8: {  	[tilespmem:s19+$0x6110] =	vst v6  }
0xc9: {  	v6 =	vld [tilespmem:s30+$0x2C];
	_ =	sdelay $0x3  }
0xca: {  	s31 =	sld [smem:$0x5]  }
0xcb: {  	v6 =	vpsel !p5, $0x0, v6  }
0xcc: {  	[tilespmem:s19+$0x611C] =	vst v6  }
0xcd: {  	v6 =	vld [tilespmem:s31+$0x0];
	_ =	sdelay $0x3  }
0xce: {  	p6 =	sgt.u32 s17, $0x5  }
0xcf: {  	v6 =	vpsel !p6, $0x0, v6  }
0xd0: {  	[tilespmem:s19+$0x612C] =	vst v6  }
0xd1: {  	v6 =	vld [tilespmem:s31+$0x10];
	_ =	sdelay $0x4  }
0xd2: {  	v6 =	vpsel !p6, $0x0, v6  }
0xd3: {  	[tilespmem:s19+$0x613C] =	vst v6  }
0xd4: {  	v6 =	vld [tilespmem:s31+$0x20];
	_ =	sdelay $0x4  }
0xd5: {  	v6 =	vpsel !p6, $0x0, v6  }
0xd6: {  	[tilespmem:s19+$0x614C] =	vst v6  }
0xd7: {  	v6 =	vld [tilespmem:s31+$0x2C];
	_ =	sdelay $0x1  }
.Ltmp1:
0xd8: {  	_ = 	snop;
	(pc) =	sbr.rel @p0 .LBB2_2-.Ltmp1, $4  }
0xd9: {  	_ = 	snop  }
0xda: {  	v7 =	vmov s16  }
0xdb: {  	vm3 =	veq.s32 v7, v0;
	v6 =	vpsel !p6, $0x0, v6  }
0xdc: {  	s16 =	simm.s32 $0x1;
	v5 =	vsel vm3, s17, v5;
	p1 =	por $0x0, $0x0;
	[tilespmem:s19+$0x6158] =	vst v6  }
0xdd: {  	s16 =	simm.s32 $0x2  }
0xde: {  	_ =	swait.ge [sflag:s16], $0x4650  }
0xdf: {  	[sflag:s16] =	ssyncset.done $0x0  }
0xe0: {  	[sflag:s16] =	ssyncadd.s32 $0xFFFFB9B0  }
.LBB2_6:
0xe1: {  	s17 =	smul.u32 $0xC8, s16;
	_ =	sdelay $0x1  }
0xe2: {  	s17 =	sshra.s32 s17, $0x2  }
0xe3: {  	v6 =	vld [tilespmem:s17+$0x5E00]  }
0xe4: {  	v7 =	vld [tilespmem:s17+$0x5E10]  }
0xe5: {  	v8 =	vld [tilespmem:s17+$0x5E30]  }
0xe6: {  	v9 =	vld [tilespmem:s17+$0x5E20];
	_ =	sdelay $0x3  }
0xe7: {  	v10 =	vnsel vm0, $0xFF800000, v8  }
0xe8: {  	v8 =	vmax.f32 v6, v7;
	v11 =	vmax.f32 v9, v10  }
0xe9: {  	v8 =	vmax.f32 v8, v11  }
0xea: {  	(xrf0) =	vmax.scan.msk.f32 $0xffff, v8;
	_ =	sdelay $0x5  }
0xeb: {  	v8, _, _ =	vpop (xrf0)  }
0xec: {  	v8 =	vbroadcast v8, $0xF;
	_ =	sdelay $0x1  }
0xed: {  	vm3 =	veq.f32 v6, v8  }
0xee: {  	vm4 =	veq.f32 v7, v8;
	vm5 =	veq.f32 v9, v8;
	v11 =	vmctz.xlane vm3  }
0xef: {  	vm6 =	veq.f32 v10, v8;
	v8 =	vmctz.xlane vm4;
	v12 =	vmctz.xlane vm5  }
0xf0: {  	v13 =	vmctz.xlane vm6;
	v14 =	vmpcnt.ones.xlane vm5  }
0xf1: {  	v15 =	vmpcnt.ones.xlane vm3;
	v16 =	vmpcnt.ones.xlane vm4  }
0xf2: {  	vm3 =	vgt.s32 v14, $0x0;
	v12 =	vadd.s32 $0x20, v12;
	v13 =	vadd.s32 $0x30, v13  }
0xf3: {  	vm4 =	vgt.s32 v16, $0x0;
	v8 =	vadd.s32 $0x10, v8;
	v12 =	vsel vm3, v12, v13  }
0xf4: {  	vm3 =	vgt.s32 v15, $0x0;
	v8 =	vsel vm4, v8, v12  }
0xf5: {  	v8 =	vsel vm3, v11, v8  }
0xf6: {  	(v2sf) =	vpush v8, $0x0;
	_ =	sdelay $0xe  }
0xf7: {  	s19 =	smul.u32 $0xBB8, s16;
	s29 =	spop (v2sf)  }
0xf8: {  	s17 =	smul.u32 $0x3C, s29;
	_ =	sdelay $0x1  }
0xf9: {  	s18 =	sadd.s32 s19, s17  }
0xfa: {  	v11 =	vadd.s32 s18, v4;
	s17 =	sadd.s32 $0x20, s18  }
0xfb: {  	s30 =	sor.u32 $0x1, s18;
	v61 =	vadd.s32 s17, v4  }
0xfc: {  	s31 =	sadd.s32 $0x21, s18;
	v62 =	vadd.s32 s30, v4  }
0xfd: {  	v63 =	vadd.s32 s31, v4;
	_ =	sdelay $0x1  }
0xfe: {  	v11 =	vld.idx.msk [tilespmem:v11+s2+$0x0], $0xffff  }
0xff: {  	[smem:$0x1] =	sst s2;
	v12 =	vld.idx.msk [tilespmem:v61+s2+$0x0], $0xffff  }
0x100: {  	[smem:$0x2] =	sst s2;
	v13 =	vld.idx.msk [tilespmem:v62+s2+$0x0], $0xffff  }
0x101: {  	[smem:$0x3] =	sst s2;
	v14 =	vld.idx.msk [tilespmem:v63+s2+$0x0], $0xffff  }
0x102: {  	[smem:$0x4] =	sst s2  }
0x103: {  	[smem:$0x5] =	sst s2;
	[tilespmem:$0x6C00] =	vst v11  }
0x104: {  	[smem:$0x6] =	sst s2;
	vm3 =	veq.s32 v8, v0;
	vm14 =	veq.s32 v8, v2;
	[tilespmem:$0x6C10] =	vst v12  }
0x105: {  	[smem:$0x7] =	sst s2;
	vm15 =	veq.s32 v8, v3;
	v6 =	vsel vm3, $0xFF800000, v6;
	vm3 =	veq.s32 v8, v1;
	[tilespmem:$0x6C20] =	vst v13  }
0x106: {  	s20 =	simm.s32 $0x1;
	v8 =	vsel vm14, $0xFF800000, v9;
	v9 =	vsel vm15, $0xFF800000, v10;
	v7 =	vsel vm3, $0xFF800000, v7;
	[smem:$0x0] =	sst s18;
	s17 =	simm.s32 $0x1;
	[tilespmem:$0x6C30] =	vst v14  }
.LBB2_7:
0x107: {  	v10 =	vmax.f32 v6, v7;
	v11 =	vmax.f32 v8, v9  }
0x108: {  	v10 =	vmax.f32 v10, v11  }
0x109: {  	(xrf0) =	vmax.scan.msk.f32 $0xffff, v10;
	_ =	sdelay $0x5  }
0x10a: {  	v10, _, _ =	vpop (xrf0)  }
0x10b: {  	v10 =	vbroadcast v10, $0xF;
	_ =	sdelay $0x1  }
0x10c: {  	vm3 =	veq.f32 v6, v10  }
0x10d: {  	vm4 =	veq.f32 v7, v10;
	vm5 =	veq.f32 v8, v10;
	v11 =	vmctz.xlane vm3  }
0x10e: {  	vm6 =	veq.f32 v9, v10;
	v10 =	vmctz.xlane vm4;
	v12 =	vmctz.xlane vm5  }
0x10f: {  	v13 =	vmctz.xlane vm6;
	v14 =	vmpcnt.ones.xlane vm5  }
0x110: {  	v15 =	vmpcnt.ones.xlane vm3;
	v16 =	vmpcnt.ones.xlane vm4  }
0x111: {  	vm3 =	vgt.s32 v14, $0x0;
	v12 =	vadd.s32 $0x20, v12;
	v13 =	vadd.s32 $0x30, v13  }
0x112: {  	vm4 =	vgt.s32 v16, $0x0;
	v10 =	vadd.s32 $0x10, v10;
	v12 =	vsel vm3, v12, v13  }
0x113: {  	vm3 =	vgt.s32 v15, $0x0;
	v10 =	vsel vm4, v10, v12  }
0x114: {  	v10 =	vsel vm3, v11, v10  }
0x115: {  	(v2sf) =	vpush v10, $0x0;
	_ =	sdelay $0xe  }
0x116: {  	s21 =	spop (v2sf)  }
0x117: {  	v34 =	vld [tilespmem:$0x6C00];
	s21 =	smul.u32 $0x3C, s21  }
0x118: {  	v35 =	vld [tilespmem:$0x6C10]  }
0x119: {  	v17 =	vld [tilespmem:$0x6C20];
	s21 =	sadd.s32 s19, s21  }
0x11a: {  	v18 =	vld [tilespmem:$0x6C30];
	v11 =	vadd.s32 s21, v4;
	s22 =	sadd.s32 $0x20, s21  }
0x11b: {  	v19 =	vld [tilespmem:$0x6C40];
	s29 =	sor.u32 $0x1, s21;
	v28 =	vadd.s32 s22, v4  }
0x11c: {  	v20 =	vld [tilespmem:$0x6C50];
	s30 =	sadd.s32 $0x21, s21;
	v29 =	vadd.s32 s29, v4  }
0x11d: {  	v23 =	vld [tilespmem:$0x6C80];
	v30 =	vadd.s32 s30, v4  }
0x11e: {  	v25 =	vld [tilespmem:$0x6CC0]  }
0x11f: {  	v31 =	vld.idx.msk [tilespmem:v11+s2+$0x0], $0xffff  }
0x120: {  	v32 =	vld.idx.msk [tilespmem:v28+s2+$0x0], $0xffff  }
0x121: {  	v33 =	vld.idx.msk [tilespmem:v29+s2+$0x0], $0xffff  }
0x122: {  	v11 =	vld.idx.msk [tilespmem:v30+s2+$0x0], $0xffff  }
0x123: {  	v21 =	vld [tilespmem:$0x6C60]  }
0x124: {  	v22 =	vld [tilespmem:$0x6C70];
	vm6 =	vmmov vm2;
	v15 =	vsub.f32 v31, v34  }
0x125: {  	v26 =	vld [tilespmem:$0x6D30];
	p0 =	sgt.u32 s17, $0x1;
	vm5 =	vmmov vm2;
	v39 =	vsub.f32 v31, v19;
	v23 =	vsub.f32 v31, v23  }
0x126: {  	v44 =	vld [tilespmem:$0x6CE0];
	vm6 =	vmneg @p0 vm6;
	p0 =	sgt.u32 s17, $0x2;
	v53 =	vsub.f32 v31, v25;
	v17 =	vsub.f32 v33, v17  }
0x127: {  	vm5 =	vmneg @p0 vm5;
	v16 =	vsub.f32 v32, v35;
	v18 =	vsub.f32 v11, v18  }
0x128: {  	v36 =	vld [tilespmem:$0x6C90];
	v40 =	vsub.f32 v33, v21;
	v20 =	vsub.f32 v32, v20;
	v15 =	vmul.f32 v15, v15  }
0x129: {  	v37 =	vld [tilespmem:$0x6CB0];
	v22 =	vsub.f32 v11, v22;
	v43 =	vmul.f32 v23, v23;
	v55 =	vmul.f32 v53, v53  }
0x12a: {  	v57 =	vsub.f32 v11, v26;
	v17 =	vmul.f32 v17, v17;
	v16 =	vmul.f32 v16, v16  }
0x12b: {  	v38 =	vld [tilespmem:$0x6CA0];
	v23 =	vsub.f32 v33, v44;
	v18 =	vmul.f32 v18, v18;
	v19 =	vmul.f32 v40, v40  }
0x12c: {  	v20 =	vmul.f32 v20, v20;
	v22 =	vmul.f32 v22, v22;
	v15 =	vadd.f32 v17, v15  }
0x12d: {  	v58 =	vmul.f32 v57, v57;
	v16 =	vadd.f32 v18, v16;
	v17 =	vsub.f32 v32, v36  }
0x12e: {  	v42 =	vld [tilespmem:$0x6CD0];
	v56 =	vmul.f32 v23, v23;
	v18 =	vsub.f32 v11, v37;
	v20 =	vadd.f32 v22, v20  }
0x12f: {  	v45 =	vld [tilespmem:$0x6CF0];
	vm3 =	vlt.f32 v15, $2.000000030e-01;
	vm10 =	vlt.f32 v16, $2.000000030e-01;
	v16 =	vmul.f32 v39, v39  }
0x130: {  	v15 =	vsub.f32 v33, v38;
	v17 =	vmul.f32 v17, v17;
	v18 =	vmul.f32 v18, v18  }
0x131: {  	v46 =	vld [tilespmem:$0x6D00];
	vm11 =	vlt.f32 v20, $2.000000030e-01;
	vm4 =	vmor vm10, vm1;
	v41 =	vmpcnt.ones.xlane vm3  }
0x132: {  	v48 =	vld [tilespmem:$0x6D10];
	v24 =	vmpcnt.ones.xlane vm4;
	v16 =	vadd.f32 v19, v16;
	v15 =	vmul.f32 v15, v15  }
0x133: {  	v17 =	vadd.f32 v18, v17;
	vm4 =	vmor vm11, vm1;
	v19 =	vsub.f32 v32, v42  }
0x134: {  	v50 =	vld [tilespmem:$0x6D20];
	v18 =	vsub.f32 v11, v45;
	v49 =	vmpcnt.ones.xlane vm4;
	v21 =	vadd.s32 v41, v24  }
0x135: {  	vm3 =	vlt.f32 v16, $2.000000030e-01;
	v15 =	vadd.f32 v15, v43;
	v19 =	vmul.f32 v19, v19  }
0x136: {  	v16 =	vsub.f32 v31, v46;
	v18 =	vmul.f32 v18, v18;
	v47 =	vmpcnt.ones.xlane vm3  }
0x137: {  	vm3 =	vlt.f32 v17, $2.000000030e-01;
	vm13 =	veq.s32 v21, $0x20;
	v17 =	vsub.f32 v32, v48  }
0x138: {  	v21 =	vadd.f32 v56, v55;
	vm12 =	vlt.f32 v15, $2.000000030e-01;
	vm3 =	vmor vm3, vm1  }
0x139: {  	v15 =	vsub.f32 v33, v50;
	v16 =	vmul.f32 v16, v16;
	v18 =	vadd.f32 v18, v19  }
0x13a: {  	v51 =	vmpcnt.ones.xlane vm12;
	v52 =	vmpcnt.ones.xlane vm3;
	v20 =	vadd.s32 v47, v49  }
0x13b: {  	v17 =	vmul.f32 v17, v17;
	vm15 =	vlt.f32 v21, $2.000000030e-01;
	vm3 =	veq.s32 v20, $0x20  }
0x13c: {  	v15 =	vmul.f32 v15, v15;
	vm7 =	vlt.f32 v18, $2.000000030e-01;
	v60 =	vmpcnt.ones.xlane vm15  }
0x13d: {  	v54 =	vadd.s32 v51, v52;
	vm3 =	vmand vm6, vm3;
	v59 =	vadd.f32 v58, v17  }
0x13e: {  	vm7 =	vmor vm7, vm1;
	vm14 =	veq.s32 v54, $0x20;
	v15 =	vadd.f32 v15, v16  }
0x13f: {  	vm3 =	vmor vm13, vm3;
	v61 =	vmpcnt.ones.xlane vm7;
	vm9 =	vlt.f32 v59, $2.000000030e-01  }
0x140: {  	vm4 =	vmand vm5, vm14;
	vm10 =	vlt.f32 v15, $2.000000030e-01;
	vm6 =	vmor vm9, vm1  }
0x141: {  	v16 =	vadd.s32 v60, v61;
	v15 =	vmpcnt.ones.xlane vm10;
	v62 =	vmpcnt.ones.xlane vm6  }
0x142: {  	p0 =	sgt.u32 s17, $0x3;
	vm3 =	vmor vm3, vm4;
	vm4 =	vmmov vm2;
	vm11 =	veq.s32 v16, $0x20  }
0x143: {  	vm4 =	vmneg @p0 vm4;
	p0 =	sgt.u32 s17, $0x4;
	vm6 =	vmmov vm2;
	v15 =	vadd.s32 v15, v62  }
0x144: {  	vm4 =	vmand vm4, vm11;
	vm6 =	vmneg @p0 vm6;
	vm12 =	veq.s32 v15, $0x20  }
0x145: {  	vm3 =	vmor vm3, vm4;
	vm13 =	vmand vm6, vm12  }
0x146: {  	vm3 =	vmor vm3, vm13  }
0x147: {  	v63 =	vmpcnt.ones.xlane vm3;
	_ =	sdelay $0x1  }
0x148: {  	(v2sf) =	vpush v63, $0x0;
	_ =	sdelay $0xe  }
0x149: {  	s31 =	spop (v2sf)  }
0x14a: {  	s23 =	simm.s32 $0x1;
	p0 =	seq.s32 s31, $0x0  }
0x14b: {  	s24 =	smov.u32 s17;
	s23 =	simm.s32 @!p0 $0x0  }
0x14c: {  	p1 =	sgt.u32 s20, $0x30;
	s22 =	sshll.u32 s17, $0x6;
	s17 =	sadd.s32 s23, s17  }
0x14d: {  	p2 =	slt.u32 @!p1 s17, $0x6  }
0x14e: {  	s22 =	simm.s32 @!p0 $0x180;
	s24 =	simm.s32 @!p0 $0x7;
	p0 =	por p1, !p2  }
.Ltmp2:
0x14f: {  	_ = 	snop;
	(pc) =	sbr.rel @!p0 .LBB2_7-.Ltmp2, $4  }
0x150: {  	[tilespmem:s22+$0x6C00] =	vst v31  }
0x151: {  	vm15 =	veq.s32 v10, v3;
	vm3 =	veq.s32 v10, v0;
	[tilespmem:s22+$0x6C10] =	vst v32  }
0x152: {  	vm14 =	veq.s32 v10, v2;
	v6 =	vsel vm3, $0xFF800000, v6;
	vm3 =	veq.s32 v10, v1;
	[tilespmem:s22+$0x6C20] =	vst v33  }
0x153: {  	s20 =	sadd.s32 $0x1, s20;
	v9 =	vsel vm15, $0xFF800000, v9;
	v8 =	vsel vm14, $0xFF800000, v8;
	v7 =	vsel vm3, $0xFF800000, v7;
	[tilespmem:s22+$0x6C30] =	vst v11;
	[smem:s24] =	sst s21  }
0x154: {  	v6 =	vld [tilespmem:s18+$0x0];
	_ =	sdelay $0x2  }
0x155: {  	s19 =	smul.u32 $0x168, s16;
	_ =	sdelay $0x1  }
0x156: {  	[tilespmem:s19+$0x6000] =	vst v6  }
0x157: {  	v6 =	vld [tilespmem:s18+$0x10];
	_ =	sdelay $0x4  }
0x158: {  	[tilespmem:s19+$0x6010] =	vst v6  }
0x159: {  	v6 =	vld [tilespmem:s18+$0x20];
	_ =	sdelay $0x4  }
0x15a: {  	[tilespmem:s19+$0x6020] =	vst v6  }
0x15b: {  	v6 =	vld [tilespmem:s18+$0x2C];
	_ =	sdelay $0x2  }
0x15c: {  	s26 =	sld [smem:$0x1];
	_ =	sdelay $0x1  }
0x15d: {  	[tilespmem:s19+$0x602C] =	vst v6  }
0x15e: {  	v6 =	vld [tilespmem:s26+$0x0];
	_ =	sdelay $0x3  }
0x15f: {  	p0 =	sgt.u32 s17, $0x1  }
0x160: {  	v6 =	vpsel !p0, $0x0, v6  }
0x161: {  	[tilespmem:s19+$0x603C] =	vst v6  }
0x162: {  	v6 =	vld [tilespmem:s26+$0x10];
	_ =	sdelay $0x4  }
0x163: {  	v6 =	vpsel !p0, $0x0, v6  }
0x164: {  	[tilespmem:s19+$0x604C] =	vst v6  }
0x165: {  	v6 =	vld [tilespmem:s26+$0x20];
	_ =	sdelay $0x4  }
0x166: {  	v6 =	vpsel !p0, $0x0, v6  }
0x167: {  	[tilespmem:s19+$0x605C] =	vst v6  }
0x168: {  	v6 =	vld [tilespmem:s26+$0x2C];
	_ =	sdelay $0x3  }
0x169: {  	s28 =	sld [smem:$0x2]  }
0x16a: {  	v6 =	vpsel !p0, $0x0, v6  }
0x16b: {  	[tilespmem:s19+$0x6068] =	vst v6  }
0x16c: {  	v6 =	vld [tilespmem:s28+$0x0];
	_ =	sdelay $0x3  }
0x16d: {  	p3 =	sgt.u32 s17, $0x2  }
0x16e: {  	v6 =	vpsel !p3, $0x0, v6  }
0x16f: {  	[tilespmem:s19+$0x6078] =	vst v6  }
0x170: {  	v6 =	vld [tilespmem:s28+$0x10];
	_ =	sdelay $0x4  }
0x171: {  	v6 =	vpsel !p3, $0x0, v6  }
0x172: {  	[tilespmem:s19+$0x6088] =	vst v6  }
0x173: {  	v6 =	vld [tilespmem:s28+$0x20];
	_ =	sdelay $0x4  }
0x174: {  	v6 =	vpsel !p3, $0x0, v6  }
0x175: {  	[tilespmem:s19+$0x6098] =	vst v6  }
0x176: {  	v6 =	vld [tilespmem:s28+$0x2C];
	_ =	sdelay $0x3  }
0x177: {  	s29 =	sld [smem:$0x3]  }
0x178: {  	v6 =	vpsel !p3, $0x0, v6  }
0x179: {  	[tilespmem:s19+$0x60A4] =	vst v6  }
0x17a: {  	v6 =	vld [tilespmem:s29+$0x0];
	_ =	sdelay $0x3  }
0x17b: {  	p4 =	sgt.u32 s17, $0x3  }
0x17c: {  	v6 =	vpsel !p4, $0x0, v6  }
0x17d: {  	[tilespmem:s19+$0x60B4] =	vst v6  }
0x17e: {  	v6 =	vld [tilespmem:s29+$0x10];
	_ =	sdelay $0x4  }
0x17f: {  	v6 =	vpsel !p4, $0x0, v6  }
0x180: {  	[tilespmem:s19+$0x60C4] =	vst v6  }
0x181: {  	v6 =	vld [tilespmem:s29+$0x20];
	_ =	sdelay $0x4  }
0x182: {  	v6 =	vpsel !p4, $0x0, v6  }
0x183: {  	[tilespmem:s19+$0x60D4] =	vst v6  }
0x184: {  	v6 =	vld [tilespmem:s29+$0x2C];
	_ =	sdelay $0x3  }
0x185: {  	s30 =	sld [smem:$0x4]  }
0x186: {  	v6 =	vpsel !p4, $0x0, v6  }
0x187: {  	[tilespmem:s19+$0x60E0] =	vst v6  }
0x188: {  	v6 =	vld [tilespmem:s30+$0x0];
	_ =	sdelay $0x3  }
0x189: {  	p5 =	sgt.u32 s17, $0x4  }
0x18a: {  	v6 =	vpsel !p5, $0x0, v6  }
0x18b: {  	[tilespmem:s19+$0x60F0] =	vst v6  }
0x18c: {  	v6 =	vld [tilespmem:s30+$0x10];
	_ =	sdelay $0x4  }
0x18d: {  	s20 =	sand.u32 $0xFF8, s19;
	v6 =	vpsel !p5, $0x0, v6  }
0x18e: {  	[tilespmem:s20+$0x6100] =	vst v6  }
0x18f: {  	v6 =	vld [tilespmem:s30+$0x20];
	_ =	sdelay $0x4  }
0x190: {  	v6 =	vpsel !p5, $0x0, v6  }
0x191: {  	[tilespmem:s19+$0x6110] =	vst v6  }
0x192: {  	v6 =	vld [tilespmem:s30+$0x2C];
	_ =	sdelay $0x3  }
0x193: {  	s31 =	sld [smem:$0x5]  }
0x194: {  	v6 =	vpsel !p5, $0x0, v6  }
0x195: {  	[tilespmem:s19+$0x611C] =	vst v6  }
0x196: {  	v6 =	vld [tilespmem:s31+$0x0];
	_ =	sdelay $0x3  }
0x197: {  	p6 =	sgt.u32 s17, $0x5  }
0x198: {  	v6 =	vpsel !p6, $0x0, v6  }
0x199: {  	[tilespmem:s19+$0x612C] =	vst v6  }
0x19a: {  	v6 =	vld [tilespmem:s31+$0x10];
	_ =	sdelay $0x4  }
0x19b: {  	v6 =	vpsel !p6, $0x0, v6  }
0x19c: {  	[tilespmem:s19+$0x613C] =	vst v6  }
0x19d: {  	v6 =	vld [tilespmem:s31+$0x20];
	_ =	sdelay $0x4  }
0x19e: {  	v6 =	vpsel !p6, $0x0, v6  }
0x19f: {  	[tilespmem:s19+$0x614C] =	vst v6  }
0x1a0: {  	v7 =	vmov s16;
	s16 =	sadd.s32 $0x1, s16;
	v6 =	vld [tilespmem:s31+$0x2C]  }
0x1a1: {  	p0 =	sne.s32 s16, $0x8  }
.Ltmp3:
0x1a2: {  	_ = 	snop;
	(pc) =	sbr.rel @p0 .LBB2_6-.Ltmp3, $3  }
0x1a3: {  	_ =	sdelay $0x1  }
0x1a4: {  	vm3 =	veq.s32 v7, v0;
	v6 =	vpsel !p6, $0x0, v6  }
0x1a5: {  	v5 =	vsel vm3, s17, v5;
	[tilespmem:s19+$0x6158] =	vst v6  }
0x1a6: {  	[tilespmem:$0x6B80] =	vst v5  }
0x1a7: {  	[hbm4b:s6+s2] =	stream.linear.scatter [tilespmem:s13], [sflag:$0x1], $0xB40, $0x38;
	[tilespmem:$0x6E00] =	vst v63  }
0x1a8: {  	s15 =	sadd.s32 $0x1, s15  }
0x1a9: {  	[hbm4b:s7+s2] =	stream.linear.scatter [tilespmem:s14], [sflag:$0x3], $0x8, $0x38;
	[tilespmem:$0x6E00] =	vst v63  }
0x1aa: {  	p0 =	sne.s32 s15, s8;
	_ =	swait.ge [sflag:s11], $0x8  }
.Ltmp4:
0x1ab: {  	[sflag:s11] =	ssyncset.done $0x0;
	(pc) =	sbr.rel @p0 .LBB2_1-.Ltmp4, $4  }
0x1ac: {  	[sflag:s11] =	ssyncadd.s32 $0xFFFFFFF8  }
0x1ad: {  	_ =	swait.ge [sflag:s12], $0xB40  }
0x1ae: {  	[sflag:s12] =	ssyncset.done $0x0  }
0x1af: {  	[sflag:s12] =	ssyncadd.s32 $0xFFFFF4C0  }
0x1b0: {  	_ =	sfence.sel $0x180000  }
0x1b1: {  	[bflag:$0x0] =	sbarrier.arrive $0xFFFF  }
0x1b2: {  	p0 =	sne.s32 s0, $0x0;
	_ =	strace $0x90000047  }
0x1b3: {  	s0 =	sadd.s32 @!p0 $0x100000, s1;
	[bflag:$0x2] =	sbarrier.arrive $0xFFFF  }
0x1b4: {  	[sflag:s0] =	ssyncadd.tile.s32 @!p0 $0x1;
	_ =	shalt  }
.Lfunc_end2:
_tile_overlayer_lowered:
.L_overlay_start_2:
0x1b5: {  	(tag) =	ssettag $0x2  }
0x1b6: {  	s0 =	rddreg [dreg:$0x0];
	s2 =	stileid.u32  }
0x1b7: {  	s1 =	rddreg [dreg:$0x1];
	p0 =	sne.s32 s2, $0x0  }
0x1b8: {  	s3 =	rddreg [dreg:$0x2];
	[bflag:$0x3] =	sbarrier.arrive $0xFFFF;
	s2 =	simm.s32 @!p0 $0x1C03  }
0x1b9: {  	[timem:s3], [sflag:s2] =	dma.local @!p0 [hbm:s0], s1  }
0x1ba: {  	s0 =	simm.s32 @!p0 $0x3  }
0x1bb: {  	_ =	swait.ge @!p0 [sflag:s0], s1  }
0x1bc: {  	s1 =	ssub.s32 @!p0 $0x0, s1;
	[sflag:s0] =	ssyncset.done @!p0 $0x0  }
0x1bd: {  	[sflag:s0] =	ssyncadd.s32 @!p0 s1  }
0x1be: {  	[bflag:$0x3] =	sbarrier.arrive $0xFFFF  }
0x1bf: {  	_ =	shalt  }

</sc_bundles>
